<compile_context>
chip_gen: v7x
topology: tpu7x:2x2x1
jax: 0.10.2.dev20260603
libtpu: 0.0.44.dev20260713+nightly
codegen_flags: <defaults>
</compile_context>

<pallas_src>
import functools

import jax
import jax.numpy as jnp
from jax import lax
from jax.experimental import pallas as pl
from jax.experimental.pallas import tpu as pltpu
from jax.experimental.pallas import tpu_sc as plsc

B, H, W, C = 16, 128, 128, 80
P = H * W
NGRP = 1024
K = 100
SCALE = 4.0
PIX_CAP = 256
SURV_CAP = 256
TOPK_PAD = 112
CH = 32
HHI = 0x7F800000


def _pmax_body(x_ref, o_ref):
    o_ref[...] = jnp.max(x_ref[...], axis=3)


def _pixel_max(cls_pred):
    bh = 128
    return pl.pallas_call(
        _pmax_body,
        grid=(B, H // bh),
        in_specs=[pl.BlockSpec((1, bh, W, C), lambda b, t: (b, t, 0, 0))],
        out_specs=pl.BlockSpec((1, bh, W), lambda b, t: (b, t, 0)),
        out_shape=jax.ShapeDtypeStruct((B, H, W), jnp.float32),
    )(cls_pred)


def _iota16():
    return lax.iota(jnp.int32, 16)


def _extract_f32(ref, i):
    blk = ref[pl.ds((i // 16) * 16, 16)]
    sel = jnp.where(_iota16() == (i % 16), blk, jnp.float32(-3.0))
    return jnp.max(sel)


def _extract_i32(ref, i):
    blk = ref[pl.ds((i // 16) * 16, 16)]
    sel = jnp.where(_iota16() == (i % 16), blk, jnp.int32(-2147483647))
    return jnp.max(sel)


def _pcnt(mask):
    return jnp.max(plsc.all_reduce_population_count(mask))


def _sc_decode(cls_pred, loc_blocks, pmax):
    mesh = plsc.VectorSubcoreMesh(core_axis_name="c", subcore_axis_name="s")

    @functools.partial(
        pl.kernel,
        out_type=jax.ShapeDtypeStruct((B, 640), jnp.float32),
        mesh=mesh,
        compiler_params=pltpu.CompilerParams(needs_layout_passes=False),
        scratch_types=[
            pltpu.VMEM((H, W), jnp.float32),
            pltpu.VMEM((NGRP,), jnp.float32),
            pltpu.VMEM((PIX_CAP + 16,), jnp.int32),
            pltpu.VMEM((CH * 8, C), jnp.float32),
            pltpu.VMEM((SURV_CAP + 16,), jnp.float32),
            pltpu.VMEM((SURV_CAP + 16,), jnp.int32),
            pltpu.VMEM((TOPK_PAD,), jnp.int32),
            pltpu.VMEM((TOPK_PAD, 128), jnp.float32),
            pltpu.VMEM((640,), jnp.float32),
            pltpu.SemaphoreType.DMA,
            pltpu.SemaphoreType.DMA,
        ],
    )
    def k(cls_hbm, loc_hbm, pmax_hbm, out_hbm,
          pbuf, gmax, pix, cbuf, sval, sidx, spat, lbuf, det, gsem, lsem):
        c = lax.axis_index("c")
        s = lax.axis_index("s")

        @pl.when(s < 8)
        def _work():
            b = c * 8 + s
            iota = _iota16()

            pltpu.sync_copy(pmax_hbm.at[b], pbuf)

            def gm_body(i, _):
                r0 = i // 8
                col = (i % 8) * 16

                def inner(j, acc):
                    return jnp.maximum(acc, pbuf[r0 + j * 8, pl.ds(col, 16)])

                acc = lax.fori_loop(1, 16, inner, pbuf[r0, pl.ds(col, 16)])
                gmax[pl.ds(i * 16, 16)] = acc
                return 0

            lax.fori_loop(0, NGRP // 16, gm_body, 0)

            def bs_body(_, carry):
                lo, hi = carry
                mid = lo + (hi - lo) // 2
                tf = lax.bitcast_convert_type(mid, jnp.float32)

                def cnt(g, acc):
                    return acc + plsc.all_reduce_population_count(
                        gmax[pl.ds(g * 16, 16)] >= tf)

                csplat = lax.fori_loop(0, NGRP // 16, cnt,
                                       jnp.zeros((16,), jnp.int32))
                big = jnp.max(csplat) >= K
                return (jnp.where(big, mid, lo), jnp.where(big, hi, mid))

            lo, _hi = lax.fori_loop(0, 31, bs_body,
                                    (jnp.int32(0), jnp.int32(HHI)))
            tf2 = lax.bitcast_convert_type(lo, jnp.float32)

            def cp_body(q, off):
                m = pbuf[q // 8, pl.ds((q % 8) * 16, 16)] >= tf2
                offc = jnp.minimum(off, PIX_CAP)
                plsc.store_compressed(pix.at[pl.ds(offc, 16)],
                                      q * 16 + iota, mask=m)
                return offc + _pcnt(m)

            npix = lax.fori_loop(0, P // 16, cp_body, jnp.int32(0))
            npix = jnp.minimum(npix, PIX_CAP)

            def ch_body(ci, moff):
                def issue(q, _):
                    fi = ci * CH + q

                    @pl.when(fi < npix)
                    def _():
                        p = _extract_i32(pix, fi)
                        y = p // W
                        x8 = ((p % W) // 8) * 8
                        pltpu.async_copy(
                            cls_hbm.at[b, y, pl.ds(x8, 8)],
                            cbuf.at[pl.ds(q * 8, 8)], gsem)
                    return 0

                lax.fori_loop(0, CH, issue, 0)

                def drain(q, _):
                    fi = ci * CH + q

                    @pl.when(fi < npix)
                    def _():
                        p = _extract_i32(pix, fi)
                        y = p // W
                        x8 = ((p % W) // 8) * 8
                        pltpu.make_async_copy(
                            cls_hbm.at[b, y, pl.ds(x8, 8)],
                            cbuf.at[pl.ds(q * 8, 8)], gsem).wait()
                    return 0

                lax.fori_loop(0, CH, drain, 0)

                def filt(q, moff2):
                    fi = ci * CH + q

                    def skip(m3):
                        return m3

                    def do(m3):
                        p = _extract_i32(pix, fi)
                        row = q * 8 + (p % 8)

                        def cgrp(g, m4):
                            vals = cbuf[row, pl.ds(g * 16, 16)]
                            m = vals >= tf2
                            mc = jnp.minimum(m4, SURV_CAP)
                            plsc.store_compressed(
                                sval.at[pl.ds(mc, 16)], vals, mask=m)
                            plsc.store_compressed(
                                sidx.at[pl.ds(mc, 16)],
                                p * C + g * 16 + iota, mask=m)
                            return mc + _pcnt(m)

                        return lax.fori_loop(0, C // 16, cgrp, m3)

                    return lax.cond(fi < npix, do, skip, moff2)

                return lax.fori_loop(0, CH, filt, moff)

            mcnt = lax.fori_loop(0, (npix + CH - 1) // CH, ch_body,
                                 jnp.int32(0))
            mcnt = jnp.minimum(mcnt, SURV_CAP)

            sval[pl.ds(mcnt, 16)] = jnp.full((16,), -1.0, jnp.float32)
            sidx[pl.ds(mcnt, 16)] = jnp.zeros((16,), jnp.int32)

            spat[pl.ds(96, 16)] = jnp.zeros((16,), jnp.int32)

            nblk = (mcnt + 15) // 16

            def rank_body(i, _):
                vi = _extract_f32(sval, i)
                xi = _extract_i32(sidx, i)

                def inner(g, acc):
                    vj = sval[pl.ds(g * 16, 16)]
                    xj = sidx[pl.ds(g * 16, 16)]
                    m = (vj > vi) | ((vj == vi) & (xj < xi))
                    return acc + plsc.all_reduce_population_count(m)

                rank = jnp.max(lax.fori_loop(0, nblk, inner,
                                             jnp.zeros((16,), jnp.int32)))

                @pl.when(rank < K)
                def _():
                    lane0 = iota == 0
                    plsc.store_scatter(
                        det, [jnp.full((16,), rank * 6 + 4, jnp.int32)],
                        jnp.full((16,), vi, jnp.float32), mask=lane0)
                    plsc.store_scatter(
                        det, [jnp.full((16,), rank * 6 + 5, jnp.int32)],
                        jnp.full((16,), (xi % C).astype(jnp.float32),
                                 jnp.float32), mask=lane0)
                    plsc.store_scatter(
                        spat, [jnp.full((16,), rank, jnp.int32)],
                        jnp.full((16,), xi // C, jnp.int32), mask=lane0)
                    pltpu.async_copy(loc_hbm.at[b, (xi // C) // 32],
                                     lbuf.at[rank], lsem)
                return 0

            lax.fori_loop(0, mcnt, rank_body, 0)

            def pad_issue(r, _):
                pltpu.async_copy(loc_hbm.at[b, 0], lbuf.at[r], lsem)
                return 0

            lax.fori_loop(K, TOPK_PAD, pad_issue, 0)

            def bx_drain(r, _):
                p = _extract_i32(spat, r)
                pltpu.make_async_copy(loc_hbm.at[b, p // 32],
                                      lbuf.at[r], lsem).wait()
                return 0

            lax.fori_loop(0, TOPK_PAD, bx_drain, 0)

            def bx_body(t, _):
                rows = iota + t * 16
                mrow = rows < K
                p = spat[pl.ds(t * 16, 16)]
                base = (p % 32) * 4
                for comp in range(4):
                    vals = plsc.load_gather(
                        lbuf, [rows, base + comp], mask=mrow) * SCALE
                    plsc.store_scatter(det, [rows * 6 + comp], vals,
                                       mask=mrow)
                return 0

            lax.fori_loop(0, TOPK_PAD // 16, bx_body, 0)

            pltpu.sync_copy(det, out_hbm.at[b])

    return k(cls_pred, loc_blocks, pmax)


def kernel(cls_pred, loc_pred):
    pmax = _pixel_max(cls_pred)
    loc_blocks = loc_pred.reshape(B, H * W * 4 // 128, 128)
    det = _sc_decode(cls_pred, loc_blocks, pmax)
    return det[:, :600].reshape(B, K, 6)

# --- scband reference (transcript-rebuilt; emitter-appended) ---
"""Pipeline reference for scband-decode-87247965651294 (READ-ONLY COPY).

The authoritative reference and input builder live on the scoring server;
editing this copy changes nothing except your own understanding.
"""

import jax, jax.numpy as jnp
import numpy as np

MAX_OBJECTS = 100
SCALE = 4.0

def setup_inputs(seed: int = 0) -> dict:
    key = jax.random.key(seed)
    k1, k2 = jax.random.split(key)
    cls_pred = jax.random.uniform(k1, (16, 128, 128, 80), dtype=jnp.float32)
    loc_pred = jax.random.uniform(k2, (16, 128, 128, 4), dtype=jnp.float32)
    return {"cls_pred": cls_pred, "loc_pred": loc_pred}

def reference(cls_pred, loc_pred):
    b, h, w, c = cls_pred.shape
    flat = cls_pred.reshape(b, -1)
    scores, indices = jax.lax.top_k(flat, MAX_OBJECTS)
    class_ids = indices % c
    xs = (indices // c) % w
    ys = (indices // c) // w
    spatial_idx = ys * w + xs
    loc = loc_pred.reshape(b, -1, 4) * SCALE
    topk_loc = jnp.take_along_axis(loc, spatial_idx[:, :, None], axis=1)
    topk_x1 = topk_loc[..., 0:1]
    topk_y1 = topk_loc[..., 1:2]
    topk_x2 = topk_loc[..., 2:3]
    topk_y2 = topk_loc[..., 3:4]
    scores_e = scores[..., None]
    class_ids_f = class_ids.astype(jnp.float32)[..., None]
    detections = jnp.concatenate([topk_x1, topk_y1, topk_x2, topk_y2, scores_e, class_ids_f], axis=-1)
    return detections

if __name__ == "__main__":
    import jax
    _d = setup_inputs()
    print(jax.jit(kernel)(*tuple(_d.values())))

</pallas_src>

<mosaic_0001>
#map = affine_map<(d0, d1) -> (0, 0, 0, 0)>
#map1 = affine_map<(d0, d1) -> (0, 0, 0)>
#map2 = affine_map<(d0, d1) -> (0, 0)>
module attributes {stable_mosaic.version = 14 : i64} {
  func.func @k(%arg0: i32, %arg1: i32, %arg2: memref<16x128x128x80xf32, #tpu.memory_space<hbm>>, %arg3: memref<16x512x128xf32, #tpu.memory_space<hbm>>, %arg4: memref<16x128x128xf32, #tpu.memory_space<hbm>>, %arg5: memref<16x640xf32, #tpu.memory_space<hbm>>, %arg6: memref<128x128xf32, #tpu.memory_space<vmem>>, %arg7: memref<1024xf32, #tpu.memory_space<vmem>>, %arg8: memref<272xi32, #tpu.memory_space<vmem>>, %arg9: memref<256x80xf32, #tpu.memory_space<vmem>>, %arg10: memref<272xf32, #tpu.memory_space<vmem>>, %arg11: memref<272xi32, #tpu.memory_space<vmem>>, %arg12: memref<112xi32, #tpu.memory_space<vmem>>, %arg13: memref<112x128xf32, #tpu.memory_space<vmem>>, %arg14: memref<640xf32, #tpu.memory_space<vmem>>, %arg15: memref<!tpu.dma_semaphore, #tpu.memory_space<semaphore_mem>>, %arg16: memref<!tpu.dma_semaphore, #tpu.memory_space<semaphore_mem>>) attributes {dimension_semantics = [#tpu.dimension_semantics<core_parallel>, #tpu.dimension_semantics<subcore_parallel>], iteration_bounds = array<i64: 2, 16>, scalar_prefetch = 0 : i64, scratch_operands = 11 : i64, tpu.core_type = #tpu.core_type<sc_vector_subcore>, window_params = [{transform_indices = #map}, {transform_indices = #map1}, {transform_indices = #map1}, {transform_indices = #map2}]} {
    %lt3A = arith.constant 8 : i32
    %lt3A_0 = arith.cmpi slt, %arg1, %lt3A : i32
    %convert_element_type3A = arith.extui %lt3A_0 : i1 to i32
    %cond3A = arith.constant 0 : i32
    %cond3A_1 = arith.cmpi ne, %convert_element_type3A, %cond3A : i32
    scf.if %cond3A_1 {
      %mul3A = arith.constant 8 : i32
      %mul3A_2 = arith.muli %arg0, %mul3A : i32
      %add3A = arith.addi %mul3A_2, %arg1 : i32
      %iota3A = tpu.iota {dimensions = array<i32: 0>} : vector<16xi32>
      "tpu.region"() ({
        %run_scoped3A = tpu.sem_alloc : memref<!tpu.dma_semaphore, #tpu.memory_space<semaphore_mem>>
        %dma_start3A = arith.constant 0 : i32
        %dma_start3A_127 = arith.constant 0 : i32
        %dma_start3A_128 = tpu.memref_slice %arg4[%add3A, %dma_start3A, %dma_start3A_127] : memref<16x128x128xf32, #tpu.memory_space<hbm>> -> memref<1x128x128xf32, #tpu.memory_space<hbm>>
        %dma_start3A_129 = tpu.memref_squeeze %dma_start3A_128 : memref<1x128x128xf32, #tpu.memory_space<hbm>> -> memref<128x128xf32, #tpu.memory_space<hbm>>
        %dma_start3A_130 = arith.constant 0 : i32
        %dma_start3A_131 = arith.constant 0 : i32
        %dma_start3A_132 = tpu.memref_slice %arg4[%add3A, %dma_start3A_130, %dma_start3A_131] : memref<16x128x128xf32, #tpu.memory_space<hbm>> -> memref<1x128x128xf32, #tpu.memory_space<hbm>>
        %dma_start3A_133 = tpu.memref_squeeze %dma_start3A_132 : memref<1x128x128xf32, #tpu.memory_space<hbm>> -> memref<128x128xf32, #tpu.memory_space<hbm>>
        tpu.enqueue_dma source(%dma_start3A_133 : memref<128x128xf32, #tpu.memory_space<hbm>>) target(%arg6 : memref<128x128xf32, #tpu.memory_space<vmem>>) target_semaphore(%run_scoped3A : memref<!tpu.dma_semaphore, #tpu.memory_space<semaphore_mem>>)
        %dma_wait3A = arith.constant 0 : i32
        %dma_wait3A_134 = arith.constant 0 : i32
        %dma_wait3A_135 = tpu.memref_slice %arg4[%add3A, %dma_wait3A, %dma_wait3A_134] : memref<16x128x128xf32, #tpu.memory_space<hbm>> -> memref<1x128x128xf32, #tpu.memory_space<hbm>>
        %dma_wait3A_136 = tpu.memref_squeeze %dma_wait3A_135 : memref<1x128x128xf32, #tpu.memory_space<hbm>> -> memref<128x128xf32, #tpu.memory_space<hbm>>
        %dma_wait3A_137 = arith.constant 0 : i32
        %dma_wait3A_138 = arith.constant 0 : i32
        %dma_wait3A_139 = tpu.memref_slice %arg4[%add3A, %dma_wait3A_137, %dma_wait3A_138] : memref<16x128x128xf32, #tpu.memory_space<hbm>> -> memref<1x128x128xf32, #tpu.memory_space<hbm>>
        %dma_wait3A_140 = tpu.memref_squeeze %dma_wait3A_139 : memref<1x128x128xf32, #tpu.memory_space<hbm>> -> memref<128x128xf32, #tpu.memory_space<hbm>>
        tpu.wait_dma2 semaphore(%run_scoped3A : memref<!tpu.dma_semaphore, #tpu.memory_space<semaphore_mem>>) src(%dma_wait3A_140 : memref<128x128xf32, #tpu.memory_space<hbm>>) dst(%arg6 : memref<128x128xf32, #tpu.memory_space<vmem>>)
        tpu.yield
      }) : () -> ()
      %scan3A = arith.constant 0 : i32
      %scan3A_3 = arith.constant 0 : i32
      %scan3A_4 = arith.constant 64 : i32
      %scan3A_5 = arith.addi %scan3A_3, %scan3A_4 : i32
      %scan3A_6 = arith.constant 1 : i32
      %scan3A_7 = scf.for %scan3A_127 = %scan3A_3 to %scan3A_5 step %scan3A_6 iter_args(%scan3A_128 = %scan3A) -> (i32)  : i32 {
        %jit3A_129 = arith.constant 8 : i32
        %div3A_130 = arith.divsi %scan3A_127, %jit3A_129 : i32
        %sign3A_131 = arith.constant 0 : i32
        %sign3A_132 = arith.cmpi sgt, %scan3A_127, %sign3A_131 : i32
        %sign3A_133 = arith.extui %sign3A_132 : i1 to i32
        %sign3A_134 = arith.constant 0 : i32
        %sign3A_135 = arith.cmpi slt, %scan3A_127, %sign3A_134 : i32
        %sign3A_136 = arith.extui %sign3A_135 : i1 to i32
        %sign3A_137 = arith.subi %sign3A_133, %sign3A_136 : i32
        %sign3A_138 = arith.constant 0 : i32
        %sign3A_139 = arith.cmpi sgt, %jit3A_129, %sign3A_138 : i32
        %sign3A_140 = arith.extui %sign3A_139 : i1 to i32
        %sign3A_141 = arith.constant 0 : i32
        %sign3A_142 = arith.cmpi slt, %jit3A_129, %sign3A_141 : i32
        %sign3A_143 = arith.extui %sign3A_142 : i1 to i32
        %sign3A_144 = arith.subi %sign3A_140, %sign3A_143 : i32
        %ne3A_145 = arith.cmpi ne, %sign3A_137, %sign3A_144 : i32
        %rem3A_146 = arith.remsi %scan3A_127, %jit3A_129 : i32
        %ne3A_147 = arith.constant 0 : i32
        %ne3A_148 = arith.cmpi ne, %rem3A_146, %ne3A_147 : i32
        %and3A_149 = arith.andi %ne3A_145, %ne3A_148 : i1
        %sub3A_150 = arith.constant 1 : i32
        %sub3A_151 = arith.subi %div3A_130, %sub3A_150 : i32
        %select_n3A_152 = arith.select %and3A_149, %sub3A_151, %div3A_130 : i32
        %jit3A_153 = arith.constant 8 : i32
        %eq3A = arith.constant 0 : i32
        %eq3A_154 = arith.cmpi eq, %jit3A_153, %eq3A : i32
        %jit3A_155 = arith.constant 1 : i32
        %select_n3A_156 = arith.select %eq3A_154, %jit3A_155, %jit3A_153 : i32
        %rem3A_157 = arith.remsi %scan3A_127, %select_n3A_156 : i32
        %ne3A_158 = arith.constant 0 : i32
        %ne3A_159 = arith.cmpi ne, %rem3A_157, %ne3A_158 : i32
        %lt3A_160 = arith.constant 0 : i32
        %lt3A_161 = arith.cmpi slt, %rem3A_157, %lt3A_160 : i32
        %lt3A_162 = arith.constant 0 : i32
        %lt3A_163 = arith.cmpi slt, %select_n3A_156, %lt3A_162 : i32
        %ne3A_164 = arith.xori %lt3A_161, %lt3A_163 : i1
        %and3A_165 = arith.andi %ne3A_164, %ne3A_159 : i1
        %add3A_166 = arith.addi %rem3A_157, %select_n3A_156 : i32
        %select_n3A_167 = arith.select %and3A_165, %add3A_166, %rem3A_157 : i32
        %mul3A_168 = arith.constant 16 : i32
        %mul3A_169 = arith.muli %select_n3A_167, %mul3A_168 : i32
        %get3A = arith.index_cast %select_n3A_152 : i32 to index
        %get3A_170 = arith.index_cast %mul3A_169 : i32 to index
        %get3A_171 = tpu.vector_load %arg6[%get3A, %get3A_170] {strides = array<i32>} : memref<128x128xf32, #tpu.memory_space<vmem>>, vector<16xf32>,
        %scan3A_172 = arith.constant 1 : i32
        %scan3A_173 = arith.constant 15 : i32
        %scan3A_174 = arith.addi %scan3A_172, %scan3A_173 : i32
        %scan3A_175 = arith.constant 1 : i32
        %scan3A_176 = scf.for %scan3A_183 = %scan3A_172 to %scan3A_174 step %scan3A_175 iter_args(%scan3A_184 = %get3A_171) -> (vector<16xf32>)  : i32 {
          %mul3A_185 = arith.constant 8 : i32
          %mul3A_186 = arith.muli %scan3A_183, %mul3A_185 : i32
          %add3A_187 = arith.addi %select_n3A_152, %mul3A_186 : i32
          %get3A_188 = arith.index_cast %add3A_187 : i32 to index
          %get3A_189 = arith.index_cast %mul3A_169 : i32 to index
          %get3A_190 = tpu.vector_load %arg6[%get3A_188, %get3A_189] {strides = array<i32>} : memref<128x128xf32, #tpu.memory_space<vmem>>, vector<16xf32>,
          %max3A = arith.maximumf %scan3A_184, %get3A_190 : vector<16xf32>
          scf.yield %max3A : vector<16xf32>
        }
        %scan3A_177 = arith.constant 15 : i32
        %mul3A_178 = arith.constant 16 : i32
        %mul3A_179 = arith.muli %scan3A_127, %mul3A_178 : i32
        %swap3A_180 = arith.index_cast %mul3A_179 : i32 to index
        %swap3A_181 = tpu.vector_load %arg7[%swap3A_180] {strides = array<i32>} : memref<1024xf32, #tpu.memory_space<vmem>>, vector<16xf32>,
        tpu.vector_store %arg7[%swap3A_180], %scan3A_176 {strides = array<i32>} : memref<1024xf32, #tpu.memory_space<vmem>>, vector<16xf32>,
        %scan3A_182 = arith.constant 0 : i32
        scf.yield %scan3A_182 : i32
      }
      %scan3A_8 = arith.constant 64 : i32
      %scan3A_9 = arith.constant 0 : i32
      %scan3A_10 = arith.constant 2139095040 : i32
      %scan3A_11 = arith.constant 0 : i32
      %scan3A_12 = arith.constant 31 : i32
      %scan3A_13 = arith.addi %scan3A_11, %scan3A_12 : i32
      %scan3A_14 = arith.constant 1 : i32
      %scan3A_15:2 = scf.for %scan3A_127 = %scan3A_11 to %scan3A_13 step %scan3A_14 iter_args(%scan3A_128 = %scan3A_9, %scan3A_129 = %scan3A_10) -> (i32, i32)  : i32 {
        %sub3A_130 = arith.subi %scan3A_129, %scan3A_128 : i32
        %jit3A_131 = arith.constant 2 : i32
        %div3A_132 = arith.divsi %sub3A_130, %jit3A_131 : i32
        %sign3A_133 = arith.constant 0 : i32
        %sign3A_134 = arith.cmpi sgt, %sub3A_130, %sign3A_133 : i32
        %sign3A_135 = arith.extui %sign3A_134 : i1 to i32
        %sign3A_136 = arith.constant 0 : i32
        %sign3A_137 = arith.cmpi slt, %sub3A_130, %sign3A_136 : i32
        %sign3A_138 = arith.extui %sign3A_137 : i1 to i32
        %sign3A_139 = arith.subi %sign3A_135, %sign3A_138 : i32
        %sign3A_140 = arith.constant 0 : i32
        %sign3A_141 = arith.cmpi sgt, %jit3A_131, %sign3A_140 : i32
        %sign3A_142 = arith.extui %sign3A_141 : i1 to i32
        %sign3A_143 = arith.constant 0 : i32
        %sign3A_144 = arith.cmpi slt, %jit3A_131, %sign3A_143 : i32
        %sign3A_145 = arith.extui %sign3A_144 : i1 to i32
        %sign3A_146 = arith.subi %sign3A_142, %sign3A_145 : i32
        %ne3A_147 = arith.cmpi ne, %sign3A_139, %sign3A_146 : i32
        %rem3A_148 = arith.remsi %sub3A_130, %jit3A_131 : i32
        %ne3A_149 = arith.constant 0 : i32
        %ne3A_150 = arith.cmpi ne, %rem3A_148, %ne3A_149 : i32
        %and3A_151 = arith.andi %ne3A_147, %ne3A_150 : i1
        %sub3A_152 = arith.constant 1 : i32
        %sub3A_153 = arith.subi %div3A_132, %sub3A_152 : i32
        %select_n3A_154 = arith.select %and3A_151, %sub3A_153, %div3A_132 : i32
        %add3A_155 = arith.addi %scan3A_128, %select_n3A_154 : i32
        %bitcast_convert_type3A_156 = arith.bitcast %add3A_155 : i32 to f32
        %broadcast_in_dim3A_157 = arith.constant 0 : i32
        %broadcast_in_dim3A_158 = vector.broadcast %broadcast_in_dim3A_157 : i32 to vector<16xi32>
        %scan3A_159 = arith.constant 0 : i32
        %scan3A_160 = arith.constant 64 : i32
        %scan3A_161 = arith.addi %scan3A_159, %scan3A_160 : i32
        %scan3A_162 = arith.constant 1 : i32
        %scan3A_163 = scf.for %scan3A_175 = %scan3A_159 to %scan3A_161 step %scan3A_162 iter_args(%scan3A_176 = %broadcast_in_dim3A_158) -> (vector<16xi32>)  : i32 {
          %mul3A_177 = arith.constant 16 : i32
          %mul3A_178 = arith.muli %scan3A_175, %mul3A_177 : i32
          %get3A = arith.index_cast %mul3A_178 : i32 to index
          %get3A_179 = tpu.vector_load %arg7[%get3A] {strides = array<i32>} : memref<1024xf32, #tpu.memory_space<vmem>>, vector<16xf32>,
          %ge3A_180 = vector.broadcast %bitcast_convert_type3A_156 : f32 to vector<16xf32>
          %ge3A_181 = arith.cmpf oge, %get3A_179, %ge3A_180 : vector<16xf32>
          %all_reduce_population_count3A = tpu.all_reduce %ge3A_181 {dim = 0 : i64, kind = #tpu.reduction_kind<sum>} : vector<16xi1> -> vector<16xi32>
          %add3A_182 = arith.addi %scan3A_176, %all_reduce_population_count3A : vector<16xi32>
          scf.yield %add3A_182 : vector<16xi32>
        }
        %scan3A_164 = arith.constant 64 : i32
        %reduce_max3A = arith.constant true
        %reduce_max3A_165 = vector.broadcast %reduce_max3A : i1 to vector<16xi1>
        %reduce_max3A_166 = arith.constant -2147483648 : i32
        %reduce_max3A_167 = vector.broadcast %reduce_max3A_166 : i32 to vector<16xi32>
        %reduce_max3A_168 = arith.xori %scan3A_163, %reduce_max3A_167 : vector<16xi32>
        %reduce_max3A_169 = tpu.scan <max>, %reduce_max3A_168 masked %reduce_max3A_165 : vector<16xi32>, vector<16xi1> -> vector<16xi32>
        %reduce_max3A_170 = arith.xori %reduce_max3A_169, %reduce_max3A_167 : vector<16xi32>
        %reduce_max3A_171 = vector.extract %reduce_max3A_170[15] : i32 from vector<16xi32>
        %ge3A = arith.constant 100 : i32
        %ge3A_172 = arith.cmpi sge, %reduce_max3A_171, %ge3A : i32
        %select_n3A_173 = arith.select %ge3A_172, %add3A_155, %scan3A_128 : i32
        %select_n3A_174 = arith.select %ge3A_172, %scan3A_129, %add3A_155 : i32
        scf.yield %select_n3A_173, %select_n3A_174 : i32, i32
      }
      %scan3A_16 = arith.constant 31 : i32
      %bitcast_convert_type3A = arith.bitcast %scan3A_15#0 : i32 to f32
      %scan3A_17 = arith.constant 0 : i32
      %scan3A_18 = arith.constant 0 : i32
      %scan3A_19 = arith.constant 1024 : i32
      %scan3A_20 = arith.addi %scan3A_18, %scan3A_19 : i32
      %scan3A_21 = arith.constant 1 : i32
      %scan3A_22 = scf.for %scan3A_127 = %scan3A_18 to %scan3A_20 step %scan3A_21 iter_args(%scan3A_128 = %scan3A_17) -> (i32)  : i32 {
        %jit3A_129 = arith.constant 8 : i32
        %div3A_130 = arith.divsi %scan3A_127, %jit3A_129 : i32
        %sign3A_131 = arith.constant 0 : i32
        %sign3A_132 = arith.cmpi sgt, %scan3A_127, %sign3A_131 : i32
        %sign3A_133 = arith.extui %sign3A_132 : i1 to i32
        %sign3A_134 = arith.constant 0 : i32
        %sign3A_135 = arith.cmpi slt, %scan3A_127, %sign3A_134 : i32
        %sign3A_136 = arith.extui %sign3A_135 : i1 to i32
        %sign3A_137 = arith.subi %sign3A_133, %sign3A_136 : i32
        %sign3A_138 = arith.constant 0 : i32
        %sign3A_139 = arith.cmpi sgt, %jit3A_129, %sign3A_138 : i32
        %sign3A_140 = arith.extui %sign3A_139 : i1 to i32
        %sign3A_141 = arith.constant 0 : i32
        %sign3A_142 = arith.cmpi slt, %jit3A_129, %sign3A_141 : i32
        %sign3A_143 = arith.extui %sign3A_142 : i1 to i32
        %sign3A_144 = arith.subi %sign3A_140, %sign3A_143 : i32
        %ne3A_145 = arith.cmpi ne, %sign3A_137, %sign3A_144 : i32
        %rem3A_146 = arith.remsi %scan3A_127, %jit3A_129 : i32
        %ne3A_147 = arith.constant 0 : i32
        %ne3A_148 = arith.cmpi ne, %rem3A_146, %ne3A_147 : i32
        %and3A_149 = arith.andi %ne3A_145, %ne3A_148 : i1
        %sub3A_150 = arith.constant 1 : i32
        %sub3A_151 = arith.subi %div3A_130, %sub3A_150 : i32
        %select_n3A_152 = arith.select %and3A_149, %sub3A_151, %div3A_130 : i32
        %jit3A_153 = arith.constant 8 : i32
        %eq3A = arith.constant 0 : i32
        %eq3A_154 = arith.cmpi eq, %jit3A_153, %eq3A : i32
        %jit3A_155 = arith.constant 1 : i32
        %select_n3A_156 = arith.select %eq3A_154, %jit3A_155, %jit3A_153 : i32
        %rem3A_157 = arith.remsi %scan3A_127, %select_n3A_156 : i32
        %ne3A_158 = arith.constant 0 : i32
        %ne3A_159 = arith.cmpi ne, %rem3A_157, %ne3A_158 : i32
        %lt3A_160 = arith.constant 0 : i32
        %lt3A_161 = arith.cmpi slt, %rem3A_157, %lt3A_160 : i32
        %lt3A_162 = arith.constant 0 : i32
        %lt3A_163 = arith.cmpi slt, %select_n3A_156, %lt3A_162 : i32
        %ne3A_164 = arith.xori %lt3A_161, %lt3A_163 : i1
        %and3A_165 = arith.andi %ne3A_164, %ne3A_159 : i1
        %add3A_166 = arith.addi %rem3A_157, %select_n3A_156 : i32
        %select_n3A_167 = arith.select %and3A_165, %add3A_166, %rem3A_157 : i32
        %mul3A_168 = arith.constant 16 : i32
        %mul3A_169 = arith.muli %select_n3A_167, %mul3A_168 : i32
        %get3A = arith.index_cast %select_n3A_152 : i32 to index
        %get3A_170 = arith.index_cast %mul3A_169 : i32 to index
        %get3A_171 = tpu.vector_load %arg6[%get3A, %get3A_170] {strides = array<i32>} : memref<128x128xf32, #tpu.memory_space<vmem>>, vector<16xf32>,
        %ge3A = vector.broadcast %bitcast_convert_type3A : f32 to vector<16xf32>
        %ge3A_172 = arith.cmpf oge, %get3A_171, %ge3A : vector<16xf32>
        %min3A_173 = arith.constant 256 : i32
        %min3A_174 = arith.minsi %scan3A_128, %min3A_173 : i32
        %mul3A_175 = arith.constant 16 : i32
        %mul3A_176 = arith.muli %scan3A_127, %mul3A_175 : i32
        %add3A_177 = vector.broadcast %mul3A_176 : i32 to vector<16xi32>
        %add3A_178 = arith.addi %add3A_177, %iota3A : vector<16xi32>
        %swap3A_179 = arith.index_cast %min3A_174 : i32 to index
        %swap3A_180 = tpu.vector_load %arg8[%swap3A_179] masked %ge3A_172 {strides = array<i32>} : memref<272xi32, #tpu.memory_space<vmem>>, vector<16xi32>, vector<16xi1>
        tpu.vector_store %arg8[%swap3A_179], %add3A_178 masked %ge3A_172 {strides = array<i32>} : memref<272xi32, #tpu.memory_space<vmem>>, vector<16xi32>, vector<16xi1>
        %all_reduce_population_count3A = tpu.all_reduce %ge3A_172 {dim = 0 : i64, kind = #tpu.reduction_kind<sum>} : vector<16xi1> -> vector<16xi32>
        %reduce_max3A = arith.constant true
        %reduce_max3A_181 = vector.broadcast %reduce_max3A : i1 to vector<16xi1>
        %reduce_max3A_182 = arith.constant -2147483648 : i32
        %reduce_max3A_183 = vector.broadcast %reduce_max3A_182 : i32 to vector<16xi32>
        %reduce_max3A_184 = arith.xori %all_reduce_population_count3A, %reduce_max3A_183 : vector<16xi32>
        %reduce_max3A_185 = tpu.scan <max>, %reduce_max3A_184 masked %reduce_max3A_181 : vector<16xi32>, vector<16xi1> -> vector<16xi32>
        %reduce_max3A_186 = arith.xori %reduce_max3A_185, %reduce_max3A_183 : vector<16xi32>
        %reduce_max3A_187 = vector.extract %reduce_max3A_186[15] : i32 from vector<16xi32>
        %add3A_188 = arith.addi %min3A_174, %reduce_max3A_187 : i32
        scf.yield %add3A_188 : i32
      }
      %scan3A_23 = arith.constant 1024 : i32
      %min3A = arith.constant 256 : i32
      %min3A_24 = arith.minsi %scan3A_22, %min3A : i32
      %add3A_25 = arith.constant 32 : i32
      %add3A_26 = arith.addi %min3A_24, %add3A_25 : i32
      %sub3A = arith.constant 1 : i32
      %sub3A_27 = arith.subi %add3A_26, %sub3A : i32
      %jit3A = arith.constant 32 : i32
      %div3A = arith.divsi %sub3A_27, %jit3A : i32
      %sign3A = arith.constant 0 : i32
      %sign3A_28 = arith.cmpi sgt, %sub3A_27, %sign3A : i32
      %sign3A_29 = arith.extui %sign3A_28 : i1 to i32
      %sign3A_30 = arith.constant 0 : i32
      %sign3A_31 = arith.cmpi slt, %sub3A_27, %sign3A_30 : i32
      %sign3A_32 = arith.extui %sign3A_31 : i1 to i32
      %sign3A_33 = arith.subi %sign3A_29, %sign3A_32 : i32
      %sign3A_34 = arith.constant 0 : i32
      %sign3A_35 = arith.cmpi sgt, %jit3A, %sign3A_34 : i32
      %sign3A_36 = arith.extui %sign3A_35 : i1 to i32
      %sign3A_37 = arith.constant 0 : i32
      %sign3A_38 = arith.cmpi slt, %jit3A, %sign3A_37 : i32
      %sign3A_39 = arith.extui %sign3A_38 : i1 to i32
      %sign3A_40 = arith.subi %sign3A_36, %sign3A_39 : i32
      %ne3A = arith.cmpi ne, %sign3A_33, %sign3A_40 : i32
      %rem3A = arith.remsi %sub3A_27, %jit3A : i32
      %ne3A_41 = arith.constant 0 : i32
      %ne3A_42 = arith.cmpi ne, %rem3A, %ne3A_41 : i32
      %and3A = arith.andi %ne3A, %ne3A_42 : i1
      %sub3A_43 = arith.constant 1 : i32
      %sub3A_44 = arith.subi %div3A, %sub3A_43 : i32
      %select_n3A = arith.select %and3A, %sub3A_44, %div3A : i32
      %while3A = arith.constant 0 : i32
      %while3A_45 = arith.constant 0 : i32
      %while3A_46 = arith.subi %select_n3A, %while3A : i32
      %while3A_47 = arith.addi %while3A, %while3A_46 : i32
      %while3A_48 = arith.constant 1 : i32
      %while3A_49 = arith.divsi %while3A_46, %while3A_48 : i32
      %while3A_50 = arith.muli %while3A_49, %while3A_48 : i32
      %while3A_51 = arith.addi %while3A, %while3A_50 : i32
      %while3A_52 = arith.constant 1 : i32
      %while3A_53 = scf.for %while3A_127 = %while3A to %while3A_51 step %while3A_52 iter_args(%while3A_128 = %while3A_45) -> (i32)  : i32 {
        %scan3A_129 = arith.constant 0 : i32
        %scan3A_130 = arith.constant 0 : i32
        %scan3A_131 = arith.constant 32 : i32
        %scan3A_132 = arith.addi %scan3A_130, %scan3A_131 : i32
        %scan3A_133 = arith.constant 1 : i32
        %scan3A_134 = scf.for %scan3A_149 = %scan3A_130 to %scan3A_132 step %scan3A_133 iter_args(%scan3A_150 = %scan3A_129) -> (i32)  : i32 {
          %mul3A_151 = arith.constant 32 : i32
          %mul3A_152 = arith.muli %while3A_127, %mul3A_151 : i32
          %add3A_153 = arith.addi %mul3A_152, %scan3A_149 : i32
          %lt3A_154 = arith.cmpi slt, %add3A_153, %min3A_24 : i32
          %convert_element_type3A_155 = arith.extui %lt3A_154 : i1 to i32
          %cond3A_156 = arith.constant 0 : i32
          %cond3A_157 = arith.cmpi ne, %convert_element_type3A_155, %cond3A_156 : i32
          scf.if %cond3A_157 {
            %jit3A_159 = arith.constant 16 : i32
            %div3A_160 = arith.divsi %add3A_153, %jit3A_159 : i32
            %sign3A_161 = arith.constant 0 : i32
            %sign3A_162 = arith.cmpi sgt, %add3A_153, %sign3A_161 : i32
            %sign3A_163 = arith.extui %sign3A_162 : i1 to i32
            %sign3A_164 = arith.constant 0 : i32
            %sign3A_165 = arith.cmpi slt, %add3A_153, %sign3A_164 : i32
            %sign3A_166 = arith.extui %sign3A_165 : i1 to i32
            %sign3A_167 = arith.subi %sign3A_163, %sign3A_166 : i32
            %sign3A_168 = arith.constant 0 : i32
            %sign3A_169 = arith.cmpi sgt, %jit3A_159, %sign3A_168 : i32
            %sign3A_170 = arith.extui %sign3A_169 : i1 to i32
            %sign3A_171 = arith.constant 0 : i32
            %sign3A_172 = arith.cmpi slt, %jit3A_159, %sign3A_171 : i32
            %sign3A_173 = arith.extui %sign3A_172 : i1 to i32
            %sign3A_174 = arith.subi %sign3A_170, %sign3A_173 : i32
            %ne3A_175 = arith.cmpi ne, %sign3A_167, %sign3A_174 : i32
            %rem3A_176 = arith.remsi %add3A_153, %jit3A_159 : i32
            %ne3A_177 = arith.constant 0 : i32
            %ne3A_178 = arith.cmpi ne, %rem3A_176, %ne3A_177 : i32
            %and3A_179 = arith.andi %ne3A_175, %ne3A_178 : i1
            %sub3A_180 = arith.constant 1 : i32
            %sub3A_181 = arith.subi %div3A_160, %sub3A_180 : i32
            %select_n3A_182 = arith.select %and3A_179, %sub3A_181, %div3A_160 : i32
            %mul3A_183 = arith.constant 16 : i32
            %mul3A_184 = arith.muli %select_n3A_182, %mul3A_183 : i32
            %get3A = arith.index_cast %mul3A_184 : i32 to index
            %get3A_185 = tpu.vector_load %arg8[%get3A] {strides = array<i32>} : memref<272xi32, #tpu.memory_space<vmem>>, vector<16xi32>,
            %iota3A_186 = tpu.iota {dimensions = array<i32: 0>} : vector<16xi32>
            %jit3A_187 = arith.constant 16 : i32
            %eq3A = arith.constant 0 : i32
            %eq3A_188 = arith.cmpi eq, %jit3A_187, %eq3A : i32
            %jit3A_189 = arith.constant 1 : i32
            %select_n3A_190 = arith.select %eq3A_188, %jit3A_189, %jit3A_187 : i32
            %rem3A_191 = arith.remsi %add3A_153, %select_n3A_190 : i32
            %ne3A_192 = arith.constant 0 : i32
            %ne3A_193 = arith.cmpi ne, %rem3A_191, %ne3A_192 : i32
            %lt3A_194 = arith.constant 0 : i32
            %lt3A_195 = arith.cmpi slt, %rem3A_191, %lt3A_194 : i32
            %lt3A_196 = arith.constant 0 : i32
            %lt3A_197 = arith.cmpi slt, %select_n3A_190, %lt3A_196 : i32
            %ne3A_198 = arith.xori %lt3A_195, %lt3A_197 : i1
            %and3A_199 = arith.andi %ne3A_198, %ne3A_193 : i1
            %add3A_200 = arith.addi %rem3A_191, %select_n3A_190 : i32
            %select_n3A_201 = arith.select %and3A_199, %add3A_200, %rem3A_191 : i32
            %eq3A_202 = vector.broadcast %select_n3A_201 : i32 to vector<16xi32>
            %eq3A_203 = arith.cmpi eq, %iota3A_186, %eq3A_202 : vector<16xi32>
            %jit3A_204 = arith.constant -2147483647 : i32
            %broadcast_in_dim3A_205 = vector.broadcast %jit3A_204 : i32 to vector<16xi32>
            %select_n3A_206 = arith.select %eq3A_203, %get3A_185, %broadcast_in_dim3A_205 : vector<16xi1>, vector<16xi32>
            %reduce_max3A = arith.constant true
            %reduce_max3A_207 = vector.broadcast %reduce_max3A : i1 to vector<16xi1>
            %reduce_max3A_208 = arith.constant -2147483648 : i32
            %reduce_max3A_209 = vector.broadcast %reduce_max3A_208 : i32 to vector<16xi32>
            %reduce_max3A_210 = arith.xori %select_n3A_206, %reduce_max3A_209 : vector<16xi32>
            %reduce_max3A_211 = tpu.scan <max>, %reduce_max3A_210 masked %reduce_max3A_207 : vector<16xi32>, vector<16xi1> -> vector<16xi32>
            %reduce_max3A_212 = arith.xori %reduce_max3A_211, %reduce_max3A_209 : vector<16xi32>
            %reduce_max3A_213 = vector.extract %reduce_max3A_212[15] : i32 from vector<16xi32>
            %jit3A_214 = arith.constant 128 : i32
            %div3A_215 = arith.divsi %reduce_max3A_213, %jit3A_214 : i32
            %sign3A_216 = arith.constant 0 : i32
            %sign3A_217 = arith.cmpi sgt, %reduce_max3A_213, %sign3A_216 : i32
            %sign3A_218 = arith.extui %sign3A_217 : i1 to i32
            %sign3A_219 = arith.constant 0 : i32
            %sign3A_220 = arith.cmpi slt, %reduce_max3A_213, %sign3A_219 : i32
            %sign3A_221 = arith.extui %sign3A_220 : i1 to i32
            %sign3A_222 = arith.subi %sign3A_218, %sign3A_221 : i32
            %sign3A_223 = arith.constant 0 : i32
            %sign3A_224 = arith.cmpi sgt, %jit3A_214, %sign3A_223 : i32
            %sign3A_225 = arith.extui %sign3A_224 : i1 to i32
            %sign3A_226 = arith.constant 0 : i32
            %sign3A_227 = arith.cmpi slt, %jit3A_214, %sign3A_226 : i32
            %sign3A_228 = arith.extui %sign3A_227 : i1 to i32
            %sign3A_229 = arith.subi %sign3A_225, %sign3A_228 : i32
            %ne3A_230 = arith.cmpi ne, %sign3A_222, %sign3A_229 : i32
            %rem3A_231 = arith.remsi %reduce_max3A_213, %jit3A_214 : i32
            %ne3A_232 = arith.constant 0 : i32
            %ne3A_233 = arith.cmpi ne, %rem3A_231, %ne3A_232 : i32
            %and3A_234 = arith.andi %ne3A_230, %ne3A_233 : i1
            %sub3A_235 = arith.constant 1 : i32
            %sub3A_236 = arith.subi %div3A_215, %sub3A_235 : i32
            %select_n3A_237 = arith.select %and3A_234, %sub3A_236, %div3A_215 : i32
            %jit3A_238 = arith.constant 128 : i32
            %eq3A_239 = arith.constant 0 : i32
            %eq3A_240 = arith.cmpi eq, %jit3A_238, %eq3A_239 : i32
            %jit3A_241 = arith.constant 1 : i32
            %select_n3A_242 = arith.select %eq3A_240, %jit3A_241, %jit3A_238 : i32
            %rem3A_243 = arith.remsi %reduce_max3A_213, %select_n3A_242 : i32
            %ne3A_244 = arith.constant 0 : i32
            %ne3A_245 = arith.cmpi ne, %rem3A_243, %ne3A_244 : i32
            %lt3A_246 = arith.constant 0 : i32
            %lt3A_247 = arith.cmpi slt, %rem3A_243, %lt3A_246 : i32
            %lt3A_248 = arith.constant 0 : i32
            %lt3A_249 = arith.cmpi slt, %select_n3A_242, %lt3A_248 : i32
            %ne3A_250 = arith.xori %lt3A_247, %lt3A_249 : i1
            %and3A_251 = arith.andi %ne3A_250, %ne3A_245 : i1
            %add3A_252 = arith.addi %rem3A_243, %select_n3A_242 : i32
            %select_n3A_253 = arith.select %and3A_251, %add3A_252, %rem3A_243 : i32
            %jit3A_254 = arith.constant 8 : i32
            %div3A_255 = arith.divsi %select_n3A_253, %jit3A_254 : i32
            %sign3A_256 = arith.constant 0 : i32
            %sign3A_257 = arith.cmpi sgt, %select_n3A_253, %sign3A_256 : i32
            %sign3A_258 = arith.extui %sign3A_257 : i1 to i32
            %sign3A_259 = arith.constant 0 : i32
            %sign3A_260 = arith.cmpi slt, %select_n3A_253, %sign3A_259 : i32
            %sign3A_261 = arith.extui %sign3A_260 : i1 to i32
            %sign3A_262 = arith.subi %sign3A_258, %sign3A_261 : i32
            %sign3A_263 = arith.constant 0 : i32
            %sign3A_264 = arith.cmpi sgt, %jit3A_254, %sign3A_263 : i32
            %sign3A_265 = arith.extui %sign3A_264 : i1 to i32
            %sign3A_266 = arith.constant 0 : i32
            %sign3A_267 = arith.cmpi slt, %jit3A_254, %sign3A_266 : i32
            %sign3A_268 = arith.extui %sign3A_267 : i1 to i32
            %sign3A_269 = arith.subi %sign3A_265, %sign3A_268 : i32
            %ne3A_270 = arith.cmpi ne, %sign3A_262, %sign3A_269 : i32
            %rem3A_271 = arith.remsi %select_n3A_253, %jit3A_254 : i32
            %ne3A_272 = arith.constant 0 : i32
            %ne3A_273 = arith.cmpi ne, %rem3A_271, %ne3A_272 : i32
            %and3A_274 = arith.andi %ne3A_270, %ne3A_273 : i1
            %sub3A_275 = arith.constant 1 : i32
            %sub3A_276 = arith.subi %div3A_255, %sub3A_275 : i32
            %select_n3A_277 = arith.select %and3A_274, %sub3A_276, %div3A_255 : i32
            %mul3A_278 = arith.constant 8 : i32
            %mul3A_279 = arith.muli %select_n3A_277, %mul3A_278 : i32
            %mul3A_280 = arith.constant 8 : i32
            %mul3A_281 = arith.muli %scan3A_149, %mul3A_280 : i32
            %dma_start3A = arith.constant 0 : i32
            %dma_start3A_282 = tpu.memref_slice %arg9[%mul3A_281, %dma_start3A] : memref<256x80xf32, #tpu.memory_space<vmem>> -> memref<8x80xf32, #tpu.memory_space<vmem>>
            %dma_start3A_283 = arith.constant 0 : i32
            %dma_start3A_284 = tpu.memref_slice %arg2[%add3A, %select_n3A_237, %mul3A_279, %dma_start3A_283] : memref<16x128x128x80xf32, #tpu.memory_space<hbm>> -> memref<1x1x8x80xf32, #tpu.memory_space<hbm>>
            %dma_start3A_285 = tpu.memref_squeeze %dma_start3A_284 : memref<1x1x8x80xf32, #tpu.memory_space<hbm>> -> memref<8x80xf32, #tpu.memory_space<hbm>>
            %dma_start3A_286 = arith.constant 0 : i32
            %dma_start3A_287 = tpu.memref_slice %arg9[%mul3A_281, %dma_start3A_286] : memref<256x80xf32, #tpu.memory_space<vmem>> -> memref<8x80xf32, #tpu.memory_space<vmem>>
            %dma_start3A_288 = arith.constant 0 : i32
            %dma_start3A_289 = tpu.memref_slice %arg2[%add3A, %select_n3A_237, %mul3A_279, %dma_start3A_288] : memref<16x128x128x80xf32, #tpu.memory_space<hbm>> -> memref<1x1x8x80xf32, #tpu.memory_space<hbm>>
            %dma_start3A_290 = tpu.memref_squeeze %dma_start3A_289 : memref<1x1x8x80xf32, #tpu.memory_space<hbm>> -> memref<8x80xf32, #tpu.memory_space<hbm>>
            tpu.enqueue_dma source(%dma_start3A_290 : memref<8x80xf32, #tpu.memory_space<hbm>>) target(%dma_start3A_287 : memref<8x80xf32, #tpu.memory_space<vmem>>) target_semaphore(%arg15 : memref<!tpu.dma_semaphore, #tpu.memory_space<semaphore_mem>>)
          } else {
          }
          %scan3A_158 = arith.constant 0 : i32
          scf.yield %scan3A_158 : i32
        }
        %scan3A_135 = arith.constant 32 : i32
        %scan3A_136 = arith.constant 0 : i32
        %scan3A_137 = arith.constant 0 : i32
        %scan3A_138 = arith.constant 32 : i32
        %scan3A_139 = arith.addi %scan3A_137, %scan3A_138 : i32
        %scan3A_140 = arith.constant 1 : i32
        %scan3A_141 = scf.for %scan3A_149 = %scan3A_137 to %scan3A_139 step %scan3A_140 iter_args(%scan3A_150 = %scan3A_136) -> (i32)  : i32 {
          %mul3A_151 = arith.constant 32 : i32
          %mul3A_152 = arith.muli %while3A_127, %mul3A_151 : i32
          %add3A_153 = arith.addi %mul3A_152, %scan3A_149 : i32
          %lt3A_154 = arith.cmpi slt, %add3A_153, %min3A_24 : i32
          %convert_element_type3A_155 = arith.extui %lt3A_154 : i1 to i32
          %cond3A_156 = arith.constant 0 : i32
          %cond3A_157 = arith.cmpi ne, %convert_element_type3A_155, %cond3A_156 : i32
          scf.if %cond3A_157 {
            %jit3A_159 = arith.constant 16 : i32
            %div3A_160 = arith.divsi %add3A_153, %jit3A_159 : i32
            %sign3A_161 = arith.constant 0 : i32
            %sign3A_162 = arith.cmpi sgt, %add3A_153, %sign3A_161 : i32
            %sign3A_163 = arith.extui %sign3A_162 : i1 to i32
            %sign3A_164 = arith.constant 0 : i32
            %sign3A_165 = arith.cmpi slt, %add3A_153, %sign3A_164 : i32
            %sign3A_166 = arith.extui %sign3A_165 : i1 to i32
            %sign3A_167 = arith.subi %sign3A_163, %sign3A_166 : i32
            %sign3A_168 = arith.constant 0 : i32
            %sign3A_169 = arith.cmpi sgt, %jit3A_159, %sign3A_168 : i32
            %sign3A_170 = arith.extui %sign3A_169 : i1 to i32
            %sign3A_171 = arith.constant 0 : i32
            %sign3A_172 = arith.cmpi slt, %jit3A_159, %sign3A_171 : i32
            %sign3A_173 = arith.extui %sign3A_172 : i1 to i32
            %sign3A_174 = arith.subi %sign3A_170, %sign3A_173 : i32
            %ne3A_175 = arith.cmpi ne, %sign3A_167, %sign3A_174 : i32
            %rem3A_176 = arith.remsi %add3A_153, %jit3A_159 : i32
            %ne3A_177 = arith.constant 0 : i32
            %ne3A_178 = arith.cmpi ne, %rem3A_176, %ne3A_177 : i32
            %and3A_179 = arith.andi %ne3A_175, %ne3A_178 : i1
            %sub3A_180 = arith.constant 1 : i32
            %sub3A_181 = arith.subi %div3A_160, %sub3A_180 : i32
            %select_n3A_182 = arith.select %and3A_179, %sub3A_181, %div3A_160 : i32
            %mul3A_183 = arith.constant 16 : i32
            %mul3A_184 = arith.muli %select_n3A_182, %mul3A_183 : i32
            %get3A = arith.index_cast %mul3A_184 : i32 to index
            %get3A_185 = tpu.vector_load %arg8[%get3A] {strides = array<i32>} : memref<272xi32, #tpu.memory_space<vmem>>, vector<16xi32>,
            %iota3A_186 = tpu.iota {dimensions = array<i32: 0>} : vector<16xi32>
            %jit3A_187 = arith.constant 16 : i32
            %eq3A = arith.constant 0 : i32
            %eq3A_188 = arith.cmpi eq, %jit3A_187, %eq3A : i32
            %jit3A_189 = arith.constant 1 : i32
            %select_n3A_190 = arith.select %eq3A_188, %jit3A_189, %jit3A_187 : i32
            %rem3A_191 = arith.remsi %add3A_153, %select_n3A_190 : i32
            %ne3A_192 = arith.constant 0 : i32
            %ne3A_193 = arith.cmpi ne, %rem3A_191, %ne3A_192 : i32
            %lt3A_194 = arith.constant 0 : i32
            %lt3A_195 = arith.cmpi slt, %rem3A_191, %lt3A_194 : i32
            %lt3A_196 = arith.constant 0 : i32
            %lt3A_197 = arith.cmpi slt, %select_n3A_190, %lt3A_196 : i32
            %ne3A_198 = arith.xori %lt3A_195, %lt3A_197 : i1
            %and3A_199 = arith.andi %ne3A_198, %ne3A_193 : i1
            %add3A_200 = arith.addi %rem3A_191, %select_n3A_190 : i32
            %select_n3A_201 = arith.select %and3A_199, %add3A_200, %rem3A_191 : i32
            %eq3A_202 = vector.broadcast %select_n3A_201 : i32 to vector<16xi32>
            %eq3A_203 = arith.cmpi eq, %iota3A_186, %eq3A_202 : vector<16xi32>
            %jit3A_204 = arith.constant -2147483647 : i32
            %broadcast_in_dim3A_205 = vector.broadcast %jit3A_204 : i32 to vector<16xi32>
            %select_n3A_206 = arith.select %eq3A_203, %get3A_185, %broadcast_in_dim3A_205 : vector<16xi1>, vector<16xi32>
            %reduce_max3A = arith.constant true
            %reduce_max3A_207 = vector.broadcast %reduce_max3A : i1 to vector<16xi1>
            %reduce_max3A_208 = arith.constant -2147483648 : i32
            %reduce_max3A_209 = vector.broadcast %reduce_max3A_208 : i32 to vector<16xi32>
            %reduce_max3A_210 = arith.xori %select_n3A_206, %reduce_max3A_209 : vector<16xi32>
            %reduce_max3A_211 = tpu.scan <max>, %reduce_max3A_210 masked %reduce_max3A_207 : vector<16xi32>, vector<16xi1> -> vector<16xi32>
            %reduce_max3A_212 = arith.xori %reduce_max3A_211, %reduce_max3A_209 : vector<16xi32>
            %reduce_max3A_213 = vector.extract %reduce_max3A_212[15] : i32 from vector<16xi32>
            %jit3A_214 = arith.constant 128 : i32
            %div3A_215 = arith.divsi %reduce_max3A_213, %jit3A_214 : i32
            %sign3A_216 = arith.constant 0 : i32
            %sign3A_217 = arith.cmpi sgt, %reduce_max3A_213, %sign3A_216 : i32
            %sign3A_218 = arith.extui %sign3A_217 : i1 to i32
            %sign3A_219 = arith.constant 0 : i32
            %sign3A_220 = arith.cmpi slt, %reduce_max3A_213, %sign3A_219 : i32
            %sign3A_221 = arith.extui %sign3A_220 : i1 to i32
            %sign3A_222 = arith.subi %sign3A_218, %sign3A_221 : i32
            %sign3A_223 = arith.constant 0 : i32
            %sign3A_224 = arith.cmpi sgt, %jit3A_214, %sign3A_223 : i32
            %sign3A_225 = arith.extui %sign3A_224 : i1 to i32
            %sign3A_226 = arith.constant 0 : i32
            %sign3A_227 = arith.cmpi slt, %jit3A_214, %sign3A_226 : i32
            %sign3A_228 = arith.extui %sign3A_227 : i1 to i32
            %sign3A_229 = arith.subi %sign3A_225, %sign3A_228 : i32
            %ne3A_230 = arith.cmpi ne, %sign3A_222, %sign3A_229 : i32
            %rem3A_231 = arith.remsi %reduce_max3A_213, %jit3A_214 : i32
            %ne3A_232 = arith.constant 0 : i32
            %ne3A_233 = arith.cmpi ne, %rem3A_231, %ne3A_232 : i32
            %and3A_234 = arith.andi %ne3A_230, %ne3A_233 : i1
            %sub3A_235 = arith.constant 1 : i32
            %sub3A_236 = arith.subi %div3A_215, %sub3A_235 : i32
            %select_n3A_237 = arith.select %and3A_234, %sub3A_236, %div3A_215 : i32
            %jit3A_238 = arith.constant 128 : i32
            %eq3A_239 = arith.constant 0 : i32
            %eq3A_240 = arith.cmpi eq, %jit3A_238, %eq3A_239 : i32
            %jit3A_241 = arith.constant 1 : i32
            %select_n3A_242 = arith.select %eq3A_240, %jit3A_241, %jit3A_238 : i32
            %rem3A_243 = arith.remsi %reduce_max3A_213, %select_n3A_242 : i32
            %ne3A_244 = arith.constant 0 : i32
            %ne3A_245 = arith.cmpi ne, %rem3A_243, %ne3A_244 : i32
            %lt3A_246 = arith.constant 0 : i32
            %lt3A_247 = arith.cmpi slt, %rem3A_243, %lt3A_246 : i32
            %lt3A_248 = arith.constant 0 : i32
            %lt3A_249 = arith.cmpi slt, %select_n3A_242, %lt3A_248 : i32
            %ne3A_250 = arith.xori %lt3A_247, %lt3A_249 : i1
            %and3A_251 = arith.andi %ne3A_250, %ne3A_245 : i1
            %add3A_252 = arith.addi %rem3A_243, %select_n3A_242 : i32
            %select_n3A_253 = arith.select %and3A_251, %add3A_252, %rem3A_243 : i32
            %jit3A_254 = arith.constant 8 : i32
            %div3A_255 = arith.divsi %select_n3A_253, %jit3A_254 : i32
            %sign3A_256 = arith.constant 0 : i32
            %sign3A_257 = arith.cmpi sgt, %select_n3A_253, %sign3A_256 : i32
            %sign3A_258 = arith.extui %sign3A_257 : i1 to i32
            %sign3A_259 = arith.constant 0 : i32
            %sign3A_260 = arith.cmpi slt, %select_n3A_253, %sign3A_259 : i32
            %sign3A_261 = arith.extui %sign3A_260 : i1 to i32
            %sign3A_262 = arith.subi %sign3A_258, %sign3A_261 : i32
            %sign3A_263 = arith.constant 0 : i32
            %sign3A_264 = arith.cmpi sgt, %jit3A_254, %sign3A_263 : i32
            %sign3A_265 = arith.extui %sign3A_264 : i1 to i32
            %sign3A_266 = arith.constant 0 : i32
            %sign3A_267 = arith.cmpi slt, %jit3A_254, %sign3A_266 : i32
            %sign3A_268 = arith.extui %sign3A_267 : i1 to i32
            %sign3A_269 = arith.subi %sign3A_265, %sign3A_268 : i32
            %ne3A_270 = arith.cmpi ne, %sign3A_262, %sign3A_269 : i32
            %rem3A_271 = arith.remsi %select_n3A_253, %jit3A_254 : i32
            %ne3A_272 = arith.constant 0 : i32
            %ne3A_273 = arith.cmpi ne, %rem3A_271, %ne3A_272 : i32
            %and3A_274 = arith.andi %ne3A_270, %ne3A_273 : i1
            %sub3A_275 = arith.constant 1 : i32
            %sub3A_276 = arith.subi %div3A_255, %sub3A_275 : i32
            %select_n3A_277 = arith.select %and3A_274, %sub3A_276, %div3A_255 : i32
            %mul3A_278 = arith.constant 8 : i32
            %mul3A_279 = arith.muli %select_n3A_277, %mul3A_278 : i32
            %mul3A_280 = arith.constant 8 : i32
            %mul3A_281 = arith.muli %scan3A_149, %mul3A_280 : i32
            %dma_wait3A = arith.constant 0 : i32
            %dma_wait3A_282 = tpu.memref_slice %arg9[%mul3A_281, %dma_wait3A] : memref<256x80xf32, #tpu.memory_space<vmem>> -> memref<8x80xf32, #tpu.memory_space<vmem>>
            %dma_wait3A_283 = arith.constant 0 : i32
            %dma_wait3A_284 = tpu.memref_slice %arg2[%add3A, %select_n3A_237, %mul3A_279, %dma_wait3A_283] : memref<16x128x128x80xf32, #tpu.memory_space<hbm>> -> memref<1x1x8x80xf32, #tpu.memory_space<hbm>>
            %dma_wait3A_285 = tpu.memref_squeeze %dma_wait3A_284 : memref<1x1x8x80xf32, #tpu.memory_space<hbm>> -> memref<8x80xf32, #tpu.memory_space<hbm>>
            %dma_wait3A_286 = arith.constant 0 : i32
            %dma_wait3A_287 = tpu.memref_slice %arg9[%mul3A_281, %dma_wait3A_286] : memref<256x80xf32, #tpu.memory_space<vmem>> -> memref<8x80xf32, #tpu.memory_space<vmem>>
            %dma_wait3A_288 = arith.constant 0 : i32
            %dma_wait3A_289 = tpu.memref_slice %arg2[%add3A, %select_n3A_237, %mul3A_279, %dma_wait3A_288] : memref<16x128x128x80xf32, #tpu.memory_space<hbm>> -> memref<1x1x8x80xf32, #tpu.memory_space<hbm>>
            %dma_wait3A_290 = tpu.memref_squeeze %dma_wait3A_289 : memref<1x1x8x80xf32, #tpu.memory_space<hbm>> -> memref<8x80xf32, #tpu.memory_space<hbm>>
            tpu.wait_dma2 semaphore(%arg15 : memref<!tpu.dma_semaphore, #tpu.memory_space<semaphore_mem>>) src(%dma_wait3A_290 : memref<8x80xf32, #tpu.memory_space<hbm>>) dst(%dma_wait3A_287 : memref<8x80xf32, #tpu.memory_space<vmem>>)
          } else {
          }
          %scan3A_158 = arith.constant 0 : i32
          scf.yield %scan3A_158 : i32
        }
        %scan3A_142 = arith.constant 32 : i32
        %scan3A_143 = arith.constant 0 : i32
        %scan3A_144 = arith.constant 32 : i32
        %scan3A_145 = arith.addi %scan3A_143, %scan3A_144 : i32
        %scan3A_146 = arith.constant 1 : i32
        %scan3A_147 = scf.for %scan3A_149 = %scan3A_143 to %scan3A_145 step %scan3A_146 iter_args(%scan3A_150 = %while3A_128) -> (i32)  : i32 {
          %mul3A_151 = arith.constant 32 : i32
          %mul3A_152 = arith.muli %while3A_127, %mul3A_151 : i32
          %add3A_153 = arith.addi %mul3A_152, %scan3A_149 : i32
          %lt3A_154 = arith.cmpi slt, %add3A_153, %min3A_24 : i32
          %convert_element_type3A_155 = arith.extui %lt3A_154 : i1 to i32
          %cond3A_156 = arith.constant 0 : i32
          %cond3A_157 = arith.cmpi ne, %convert_element_type3A_155, %cond3A_156 : i32
          %cond3A_158 = scf.if %cond3A_157 -> (i32) {
            %jit3A_159 = arith.constant 16 : i32
            %div3A_160 = arith.divsi %add3A_153, %jit3A_159 : i32
            %sign3A_161 = arith.constant 0 : i32
            %sign3A_162 = arith.cmpi sgt, %add3A_153, %sign3A_161 : i32
            %sign3A_163 = arith.extui %sign3A_162 : i1 to i32
            %sign3A_164 = arith.constant 0 : i32
            %sign3A_165 = arith.cmpi slt, %add3A_153, %sign3A_164 : i32
            %sign3A_166 = arith.extui %sign3A_165 : i1 to i32
            %sign3A_167 = arith.subi %sign3A_163, %sign3A_166 : i32
            %sign3A_168 = arith.constant 0 : i32
            %sign3A_169 = arith.cmpi sgt, %jit3A_159, %sign3A_168 : i32
            %sign3A_170 = arith.extui %sign3A_169 : i1 to i32
            %sign3A_171 = arith.constant 0 : i32
            %sign3A_172 = arith.cmpi slt, %jit3A_159, %sign3A_171 : i32
            %sign3A_173 = arith.extui %sign3A_172 : i1 to i32
            %sign3A_174 = arith.subi %sign3A_170, %sign3A_173 : i32
            %ne3A_175 = arith.cmpi ne, %sign3A_167, %sign3A_174 : i32
            %rem3A_176 = arith.remsi %add3A_153, %jit3A_159 : i32
            %ne3A_177 = arith.constant 0 : i32
            %ne3A_178 = arith.cmpi ne, %rem3A_176, %ne3A_177 : i32
            %and3A_179 = arith.andi %ne3A_175, %ne3A_178 : i1
            %sub3A_180 = arith.constant 1 : i32
            %sub3A_181 = arith.subi %div3A_160, %sub3A_180 : i32
            %select_n3A_182 = arith.select %and3A_179, %sub3A_181, %div3A_160 : i32
            %mul3A_183 = arith.constant 16 : i32
            %mul3A_184 = arith.muli %select_n3A_182, %mul3A_183 : i32
            %get3A = arith.index_cast %mul3A_184 : i32 to index
            %get3A_185 = tpu.vector_load %arg8[%get3A] {strides = array<i32>} : memref<272xi32, #tpu.memory_space<vmem>>, vector<16xi32>,
            %iota3A_186 = tpu.iota {dimensions = array<i32: 0>} : vector<16xi32>
            %jit3A_187 = arith.constant 16 : i32
            %eq3A = arith.constant 0 : i32
            %eq3A_188 = arith.cmpi eq, %jit3A_187, %eq3A : i32
            %jit3A_189 = arith.constant 1 : i32
            %select_n3A_190 = arith.select %eq3A_188, %jit3A_189, %jit3A_187 : i32
            %rem3A_191 = arith.remsi %add3A_153, %select_n3A_190 : i32
            %ne3A_192 = arith.constant 0 : i32
            %ne3A_193 = arith.cmpi ne, %rem3A_191, %ne3A_192 : i32
            %lt3A_194 = arith.constant 0 : i32
            %lt3A_195 = arith.cmpi slt, %rem3A_191, %lt3A_194 : i32
            %lt3A_196 = arith.constant 0 : i32
            %lt3A_197 = arith.cmpi slt, %select_n3A_190, %lt3A_196 : i32
            %ne3A_198 = arith.xori %lt3A_195, %lt3A_197 : i1
            %and3A_199 = arith.andi %ne3A_198, %ne3A_193 : i1
            %add3A_200 = arith.addi %rem3A_191, %select_n3A_190 : i32
            %select_n3A_201 = arith.select %and3A_199, %add3A_200, %rem3A_191 : i32
            %eq3A_202 = vector.broadcast %select_n3A_201 : i32 to vector<16xi32>
            %eq3A_203 = arith.cmpi eq, %iota3A_186, %eq3A_202 : vector<16xi32>
            %jit3A_204 = arith.constant -2147483647 : i32
            %broadcast_in_dim3A_205 = vector.broadcast %jit3A_204 : i32 to vector<16xi32>
            %select_n3A_206 = arith.select %eq3A_203, %get3A_185, %broadcast_in_dim3A_205 : vector<16xi1>, vector<16xi32>
            %reduce_max3A = arith.constant true
            %reduce_max3A_207 = vector.broadcast %reduce_max3A : i1 to vector<16xi1>
            %reduce_max3A_208 = arith.constant -2147483648 : i32
            %reduce_max3A_209 = vector.broadcast %reduce_max3A_208 : i32 to vector<16xi32>
            %reduce_max3A_210 = arith.xori %select_n3A_206, %reduce_max3A_209 : vector<16xi32>
            %reduce_max3A_211 = tpu.scan <max>, %reduce_max3A_210 masked %reduce_max3A_207 : vector<16xi32>, vector<16xi1> -> vector<16xi32>
            %reduce_max3A_212 = arith.xori %reduce_max3A_211, %reduce_max3A_209 : vector<16xi32>
            %reduce_max3A_213 = vector.extract %reduce_max3A_212[15] : i32 from vector<16xi32>
            %mul3A_214 = arith.constant 8 : i32
            %mul3A_215 = arith.muli %scan3A_149, %mul3A_214 : i32
            %jit3A_216 = arith.constant 8 : i32
            %eq3A_217 = arith.constant 0 : i32
            %eq3A_218 = arith.cmpi eq, %jit3A_216, %eq3A_217 : i32
            %jit3A_219 = arith.constant 1 : i32
            %select_n3A_220 = arith.select %eq3A_218, %jit3A_219, %jit3A_216 : i32
            %rem3A_221 = arith.remsi %reduce_max3A_213, %select_n3A_220 : i32
            %ne3A_222 = arith.constant 0 : i32
            %ne3A_223 = arith.cmpi ne, %rem3A_221, %ne3A_222 : i32
            %lt3A_224 = arith.constant 0 : i32
            %lt3A_225 = arith.cmpi slt, %rem3A_221, %lt3A_224 : i32
            %lt3A_226 = arith.constant 0 : i32
            %lt3A_227 = arith.cmpi slt, %select_n3A_220, %lt3A_226 : i32
            %ne3A_228 = arith.xori %lt3A_225, %lt3A_227 : i1
            %and3A_229 = arith.andi %ne3A_228, %ne3A_223 : i1
            %add3A_230 = arith.addi %rem3A_221, %select_n3A_220 : i32
            %select_n3A_231 = arith.select %and3A_229, %add3A_230, %rem3A_221 : i32
            %add3A_232 = arith.addi %mul3A_215, %select_n3A_231 : i32
            %scan3A_233 = arith.constant 0 : i32
            %scan3A_234 = arith.constant 5 : i32
            %scan3A_235 = arith.addi %scan3A_233, %scan3A_234 : i32
            %scan3A_236 = arith.constant 1 : i32
            %scan3A_237 = scf.for %scan3A_239 = %scan3A_233 to %scan3A_235 step %scan3A_236 iter_args(%scan3A_240 = %scan3A_150) -> (i32)  : i32 {
              %mul3A_241 = arith.constant 16 : i32
              %mul3A_242 = arith.muli %scan3A_239, %mul3A_241 : i32
              %get3A_243 = arith.index_cast %add3A_232 : i32 to index
              %get3A_244 = arith.index_cast %mul3A_242 : i32 to index
              %get3A_245 = tpu.vector_load %arg9[%get3A_243, %get3A_244] {strides = array<i32>} : memref<256x80xf32, #tpu.memory_space<vmem>>, vector<16xf32>,
              %ge3A = vector.broadcast %bitcast_convert_type3A : f32 to vector<16xf32>
              %ge3A_246 = arith.cmpf oge, %get3A_245, %ge3A : vector<16xf32>
              %min3A_247 = arith.constant 256 : i32
              %min3A_248 = arith.minsi %scan3A_240, %min3A_247 : i32
              %swap3A_249 = arith.index_cast %min3A_248 : i32 to index
              %swap3A_250 = tpu.vector_load %arg10[%swap3A_249] masked %ge3A_246 {strides = array<i32>} : memref<272xf32, #tpu.memory_space<vmem>>, vector<16xf32>, vector<16xi1>
              tpu.vector_store %arg10[%swap3A_249], %get3A_245 masked %ge3A_246 {strides = array<i32>} : memref<272xf32, #tpu.memory_space<vmem>>, vector<16xf32>, vector<16xi1>
              %mul3A_251 = arith.constant 80 : i32
              %mul3A_252 = arith.muli %reduce_max3A_213, %mul3A_251 : i32
              %mul3A_253 = arith.constant 16 : i32
              %mul3A_254 = arith.muli %scan3A_239, %mul3A_253 : i32
              %add3A_255 = arith.addi %mul3A_252, %mul3A_254 : i32
              %add3A_256 = vector.broadcast %add3A_255 : i32 to vector<16xi32>
              %add3A_257 = arith.addi %add3A_256, %iota3A : vector<16xi32>
              %swap3A_258 = arith.index_cast %min3A_248 : i32 to index
              %swap3A_259 = tpu.vector_load %arg11[%swap3A_258] masked %ge3A_246 {strides = array<i32>} : memref<272xi32, #tpu.memory_space<vmem>>, vector<16xi32>, vector<16xi1>
              tpu.vector_store %arg11[%swap3A_258], %add3A_257 masked %ge3A_246 {strides = array<i32>} : memref<272xi32, #tpu.memory_space<vmem>>, vector<16xi32>, vector<16xi1>
              %all_reduce_population_count3A = tpu.all_reduce %ge3A_246 {dim = 0 : i64, kind = #tpu.reduction_kind<sum>} : vector<16xi1> -> vector<16xi32>
              %reduce_max3A_260 = arith.constant true
              %reduce_max3A_261 = vector.broadcast %reduce_max3A_260 : i1 to vector<16xi1>
              %reduce_max3A_262 = arith.constant -2147483648 : i32
              %reduce_max3A_263 = vector.broadcast %reduce_max3A_262 : i32 to vector<16xi32>
              %reduce_max3A_264 = arith.xori %all_reduce_population_count3A, %reduce_max3A_263 : vector<16xi32>
              %reduce_max3A_265 = tpu.scan <max>, %reduce_max3A_264 masked %reduce_max3A_261 : vector<16xi32>, vector<16xi1> -> vector<16xi32>
              %reduce_max3A_266 = arith.xori %reduce_max3A_265, %reduce_max3A_263 : vector<16xi32>
              %reduce_max3A_267 = vector.extract %reduce_max3A_266[15] : i32 from vector<16xi32>
              %add3A_268 = arith.addi %min3A_248, %reduce_max3A_267 : i32
              scf.yield %add3A_268 : i32
            }
            %scan3A_238 = arith.constant 5 : i32
            scf.yield %scan3A_237 : i32
          } else {
            scf.yield %scan3A_150 : i32
          }
          scf.yield %cond3A_158 : i32
        }
        %scan3A_148 = arith.constant 32 : i32
        scf.yield %scan3A_147 : i32
      }
      %while3A_54 = arith.constant 1 : i32
      %while3A_55 = scf.for %while3A_127 = %while3A_51 to %while3A_47 step %while3A_54 iter_args(%while3A_128 = %while3A_53) -> (i32)  : i32 {
        %scan3A_129 = arith.constant 0 : i32
        %scan3A_130 = arith.constant 0 : i32
        %scan3A_131 = arith.constant 32 : i32
        %scan3A_132 = arith.addi %scan3A_130, %scan3A_131 : i32
        %scan3A_133 = arith.constant 1 : i32
        %scan3A_134 = scf.for %scan3A_149 = %scan3A_130 to %scan3A_132 step %scan3A_133 iter_args(%scan3A_150 = %scan3A_129) -> (i32)  : i32 {
          %mul3A_151 = arith.constant 32 : i32
          %mul3A_152 = arith.muli %while3A_127, %mul3A_151 : i32
          %add3A_153 = arith.addi %mul3A_152, %scan3A_149 : i32
          %lt3A_154 = arith.cmpi slt, %add3A_153, %min3A_24 : i32
          %convert_element_type3A_155 = arith.extui %lt3A_154 : i1 to i32
          %cond3A_156 = arith.constant 0 : i32
          %cond3A_157 = arith.cmpi ne, %convert_element_type3A_155, %cond3A_156 : i32
          scf.if %cond3A_157 {
            %jit3A_159 = arith.constant 16 : i32
            %div3A_160 = arith.divsi %add3A_153, %jit3A_159 : i32
            %sign3A_161 = arith.constant 0 : i32
            %sign3A_162 = arith.cmpi sgt, %add3A_153, %sign3A_161 : i32
            %sign3A_163 = arith.extui %sign3A_162 : i1 to i32
            %sign3A_164 = arith.constant 0 : i32
            %sign3A_165 = arith.cmpi slt, %add3A_153, %sign3A_164 : i32
            %sign3A_166 = arith.extui %sign3A_165 : i1 to i32
            %sign3A_167 = arith.subi %sign3A_163, %sign3A_166 : i32
            %sign3A_168 = arith.constant 0 : i32
            %sign3A_169 = arith.cmpi sgt, %jit3A_159, %sign3A_168 : i32
            %sign3A_170 = arith.extui %sign3A_169 : i1 to i32
            %sign3A_171 = arith.constant 0 : i32
            %sign3A_172 = arith.cmpi slt, %jit3A_159, %sign3A_171 : i32
            %sign3A_173 = arith.extui %sign3A_172 : i1 to i32
            %sign3A_174 = arith.subi %sign3A_170, %sign3A_173 : i32
            %ne3A_175 = arith.cmpi ne, %sign3A_167, %sign3A_174 : i32
            %rem3A_176 = arith.remsi %add3A_153, %jit3A_159 : i32
            %ne3A_177 = arith.constant 0 : i32
            %ne3A_178 = arith.cmpi ne, %rem3A_176, %ne3A_177 : i32
            %and3A_179 = arith.andi %ne3A_175, %ne3A_178 : i1
            %sub3A_180 = arith.constant 1 : i32
            %sub3A_181 = arith.subi %div3A_160, %sub3A_180 : i32
            %select_n3A_182 = arith.select %and3A_179, %sub3A_181, %div3A_160 : i32
            %mul3A_183 = arith.constant 16 : i32
            %mul3A_184 = arith.muli %select_n3A_182, %mul3A_183 : i32
            %get3A = arith.index_cast %mul3A_184 : i32 to index
            %get3A_185 = tpu.vector_load %arg8[%get3A] {strides = array<i32>} : memref<272xi32, #tpu.memory_space<vmem>>, vector<16xi32>,
            %iota3A_186 = tpu.iota {dimensions = array<i32: 0>} : vector<16xi32>
            %jit3A_187 = arith.constant 16 : i32
            %eq3A = arith.constant 0 : i32
            %eq3A_188 = arith.cmpi eq, %jit3A_187, %eq3A : i32
            %jit3A_189 = arith.constant 1 : i32
            %select_n3A_190 = arith.select %eq3A_188, %jit3A_189, %jit3A_187 : i32
            %rem3A_191 = arith.remsi %add3A_153, %select_n3A_190 : i32
            %ne3A_192 = arith.constant 0 : i32
            %ne3A_193 = arith.cmpi ne, %rem3A_191, %ne3A_192 : i32
            %lt3A_194 = arith.constant 0 : i32
            %lt3A_195 = arith.cmpi slt, %rem3A_191, %lt3A_194 : i32
            %lt3A_196 = arith.constant 0 : i32
            %lt3A_197 = arith.cmpi slt, %select_n3A_190, %lt3A_196 : i32
            %ne3A_198 = arith.xori %lt3A_195, %lt3A_197 : i1
            %and3A_199 = arith.andi %ne3A_198, %ne3A_193 : i1
            %add3A_200 = arith.addi %rem3A_191, %select_n3A_190 : i32
            %select_n3A_201 = arith.select %and3A_199, %add3A_200, %rem3A_191 : i32
            %eq3A_202 = vector.broadcast %select_n3A_201 : i32 to vector<16xi32>
            %eq3A_203 = arith.cmpi eq, %iota3A_186, %eq3A_202 : vector<16xi32>
            %jit3A_204 = arith.constant -2147483647 : i32
            %broadcast_in_dim3A_205 = vector.broadcast %jit3A_204 : i32 to vector<16xi32>
            %select_n3A_206 = arith.select %eq3A_203, %get3A_185, %broadcast_in_dim3A_205 : vector<16xi1>, vector<16xi32>
            %reduce_max3A = arith.constant true
            %reduce_max3A_207 = vector.broadcast %reduce_max3A : i1 to vector<16xi1>
            %reduce_max3A_208 = arith.constant -2147483648 : i32
            %reduce_max3A_209 = vector.broadcast %reduce_max3A_208 : i32 to vector<16xi32>
            %reduce_max3A_210 = arith.xori %select_n3A_206, %reduce_max3A_209 : vector<16xi32>
            %reduce_max3A_211 = tpu.scan <max>, %reduce_max3A_210 masked %reduce_max3A_207 : vector<16xi32>, vector<16xi1> -> vector<16xi32>
            %reduce_max3A_212 = arith.xori %reduce_max3A_211, %reduce_max3A_209 : vector<16xi32>
            %reduce_max3A_213 = vector.extract %reduce_max3A_212[15] : i32 from vector<16xi32>
            %jit3A_214 = arith.constant 128 : i32
            %div3A_215 = arith.divsi %reduce_max3A_213, %jit3A_214 : i32
            %sign3A_216 = arith.constant 0 : i32
            %sign3A_217 = arith.cmpi sgt, %reduce_max3A_213, %sign3A_216 : i32
            %sign3A_218 = arith.extui %sign3A_217 : i1 to i32
            %sign3A_219 = arith.constant 0 : i32
            %sign3A_220 = arith.cmpi slt, %reduce_max3A_213, %sign3A_219 : i32
            %sign3A_221 = arith.extui %sign3A_220 : i1 to i32
            %sign3A_222 = arith.subi %sign3A_218, %sign3A_221 : i32
            %sign3A_223 = arith.constant 0 : i32
            %sign3A_224 = arith.cmpi sgt, %jit3A_214, %sign3A_223 : i32
            %sign3A_225 = arith.extui %sign3A_224 : i1 to i32
            %sign3A_226 = arith.constant 0 : i32
            %sign3A_227 = arith.cmpi slt, %jit3A_214, %sign3A_226 : i32
            %sign3A_228 = arith.extui %sign3A_227 : i1 to i32
            %sign3A_229 = arith.subi %sign3A_225, %sign3A_228 : i32
            %ne3A_230 = arith.cmpi ne, %sign3A_222, %sign3A_229 : i32
            %rem3A_231 = arith.remsi %reduce_max3A_213, %jit3A_214 : i32
            %ne3A_232 = arith.constant 0 : i32
            %ne3A_233 = arith.cmpi ne, %rem3A_231, %ne3A_232 : i32
            %and3A_234 = arith.andi %ne3A_230, %ne3A_233 : i1
            %sub3A_235 = arith.constant 1 : i32
            %sub3A_236 = arith.subi %div3A_215, %sub3A_235 : i32
            %select_n3A_237 = arith.select %and3A_234, %sub3A_236, %div3A_215 : i32
            %jit3A_238 = arith.constant 128 : i32
            %eq3A_239 = arith.constant 0 : i32
            %eq3A_240 = arith.cmpi eq, %jit3A_238, %eq3A_239 : i32
            %jit3A_241 = arith.constant 1 : i32
            %select_n3A_242 = arith.select %eq3A_240, %jit3A_241, %jit3A_238 : i32
            %rem3A_243 = arith.remsi %reduce_max3A_213, %select_n3A_242 : i32
            %ne3A_244 = arith.constant 0 : i32
            %ne3A_245 = arith.cmpi ne, %rem3A_243, %ne3A_244 : i32
            %lt3A_246 = arith.constant 0 : i32
            %lt3A_247 = arith.cmpi slt, %rem3A_243, %lt3A_246 : i32
            %lt3A_248 = arith.constant 0 : i32
            %lt3A_249 = arith.cmpi slt, %select_n3A_242, %lt3A_248 : i32
            %ne3A_250 = arith.xori %lt3A_247, %lt3A_249 : i1
            %and3A_251 = arith.andi %ne3A_250, %ne3A_245 : i1
            %add3A_252 = arith.addi %rem3A_243, %select_n3A_242 : i32
            %select_n3A_253 = arith.select %and3A_251, %add3A_252, %rem3A_243 : i32
            %jit3A_254 = arith.constant 8 : i32
            %div3A_255 = arith.divsi %select_n3A_253, %jit3A_254 : i32
            %sign3A_256 = arith.constant 0 : i32
            %sign3A_257 = arith.cmpi sgt, %select_n3A_253, %sign3A_256 : i32
            %sign3A_258 = arith.extui %sign3A_257 : i1 to i32
            %sign3A_259 = arith.constant 0 : i32
            %sign3A_260 = arith.cmpi slt, %select_n3A_253, %sign3A_259 : i32
            %sign3A_261 = arith.extui %sign3A_260 : i1 to i32
            %sign3A_262 = arith.subi %sign3A_258, %sign3A_261 : i32
            %sign3A_263 = arith.constant 0 : i32
            %sign3A_264 = arith.cmpi sgt, %jit3A_254, %sign3A_263 : i32
            %sign3A_265 = arith.extui %sign3A_264 : i1 to i32
            %sign3A_266 = arith.constant 0 : i32
            %sign3A_267 = arith.cmpi slt, %jit3A_254, %sign3A_266 : i32
            %sign3A_268 = arith.extui %sign3A_267 : i1 to i32
            %sign3A_269 = arith.subi %sign3A_265, %sign3A_268 : i32
            %ne3A_270 = arith.cmpi ne, %sign3A_262, %sign3A_269 : i32
            %rem3A_271 = arith.remsi %select_n3A_253, %jit3A_254 : i32
            %ne3A_272 = arith.constant 0 : i32
            %ne3A_273 = arith.cmpi ne, %rem3A_271, %ne3A_272 : i32
            %and3A_274 = arith.andi %ne3A_270, %ne3A_273 : i1
            %sub3A_275 = arith.constant 1 : i32
            %sub3A_276 = arith.subi %div3A_255, %sub3A_275 : i32
            %select_n3A_277 = arith.select %and3A_274, %sub3A_276, %div3A_255 : i32
            %mul3A_278 = arith.constant 8 : i32
            %mul3A_279 = arith.muli %select_n3A_277, %mul3A_278 : i32
            %mul3A_280 = arith.constant 8 : i32
            %mul3A_281 = arith.muli %scan3A_149, %mul3A_280 : i32
            %dma_start3A = arith.constant 0 : i32
            %dma_start3A_282 = tpu.memref_slice %arg9[%mul3A_281, %dma_start3A] : memref<256x80xf32, #tpu.memory_space<vmem>> -> memref<8x80xf32, #tpu.memory_space<vmem>>
            %dma_start3A_283 = arith.constant 0 : i32
            %dma_start3A_284 = tpu.memref_slice %arg2[%add3A, %select_n3A_237, %mul3A_279, %dma_start3A_283] : memref<16x128x128x80xf32, #tpu.memory_space<hbm>> -> memref<1x1x8x80xf32, #tpu.memory_space<hbm>>
            %dma_start3A_285 = tpu.memref_squeeze %dma_start3A_284 : memref<1x1x8x80xf32, #tpu.memory_space<hbm>> -> memref<8x80xf32, #tpu.memory_space<hbm>>
            %dma_start3A_286 = arith.constant 0 : i32
            %dma_start3A_287 = tpu.memref_slice %arg9[%mul3A_281, %dma_start3A_286] : memref<256x80xf32, #tpu.memory_space<vmem>> -> memref<8x80xf32, #tpu.memory_space<vmem>>
            %dma_start3A_288 = arith.constant 0 : i32
            %dma_start3A_289 = tpu.memref_slice %arg2[%add3A, %select_n3A_237, %mul3A_279, %dma_start3A_288] : memref<16x128x128x80xf32, #tpu.memory_space<hbm>> -> memref<1x1x8x80xf32, #tpu.memory_space<hbm>>
            %dma_start3A_290 = tpu.memref_squeeze %dma_start3A_289 : memref<1x1x8x80xf32, #tpu.memory_space<hbm>> -> memref<8x80xf32, #tpu.memory_space<hbm>>
            tpu.enqueue_dma source(%dma_start3A_290 : memref<8x80xf32, #tpu.memory_space<hbm>>) target(%dma_start3A_287 : memref<8x80xf32, #tpu.memory_space<vmem>>) target_semaphore(%arg15 : memref<!tpu.dma_semaphore, #tpu.memory_space<semaphore_mem>>)
          } else {
          }
          %scan3A_158 = arith.constant 0 : i32
          scf.yield %scan3A_158 : i32
        }
        %scan3A_135 = arith.constant 32 : i32
        %scan3A_136 = arith.constant 0 : i32
        %scan3A_137 = arith.constant 0 : i32
        %scan3A_138 = arith.constant 32 : i32
        %scan3A_139 = arith.addi %scan3A_137, %scan3A_138 : i32
        %scan3A_140 = arith.constant 1 : i32
        %scan3A_141 = scf.for %scan3A_149 = %scan3A_137 to %scan3A_139 step %scan3A_140 iter_args(%scan3A_150 = %scan3A_136) -> (i32)  : i32 {
          %mul3A_151 = arith.constant 32 : i32
          %mul3A_152 = arith.muli %while3A_127, %mul3A_151 : i32
          %add3A_153 = arith.addi %mul3A_152, %scan3A_149 : i32
          %lt3A_154 = arith.cmpi slt, %add3A_153, %min3A_24 : i32
          %convert_element_type3A_155 = arith.extui %lt3A_154 : i1 to i32
          %cond3A_156 = arith.constant 0 : i32
          %cond3A_157 = arith.cmpi ne, %convert_element_type3A_155, %cond3A_156 : i32
          scf.if %cond3A_157 {
            %jit3A_159 = arith.constant 16 : i32
            %div3A_160 = arith.divsi %add3A_153, %jit3A_159 : i32
            %sign3A_161 = arith.constant 0 : i32
            %sign3A_162 = arith.cmpi sgt, %add3A_153, %sign3A_161 : i32
            %sign3A_163 = arith.extui %sign3A_162 : i1 to i32
            %sign3A_164 = arith.constant 0 : i32
            %sign3A_165 = arith.cmpi slt, %add3A_153, %sign3A_164 : i32
            %sign3A_166 = arith.extui %sign3A_165 : i1 to i32
            %sign3A_167 = arith.subi %sign3A_163, %sign3A_166 : i32
            %sign3A_168 = arith.constant 0 : i32
            %sign3A_169 = arith.cmpi sgt, %jit3A_159, %sign3A_168 : i32
            %sign3A_170 = arith.extui %sign3A_169 : i1 to i32
            %sign3A_171 = arith.constant 0 : i32
            %sign3A_172 = arith.cmpi slt, %jit3A_159, %sign3A_171 : i32
            %sign3A_173 = arith.extui %sign3A_172 : i1 to i32
            %sign3A_174 = arith.subi %sign3A_170, %sign3A_173 : i32
            %ne3A_175 = arith.cmpi ne, %sign3A_167, %sign3A_174 : i32
            %rem3A_176 = arith.remsi %add3A_153, %jit3A_159 : i32
            %ne3A_177 = arith.constant 0 : i32
            %ne3A_178 = arith.cmpi ne, %rem3A_176, %ne3A_177 : i32
            %and3A_179 = arith.andi %ne3A_175, %ne3A_178 : i1
            %sub3A_180 = arith.constant 1 : i32
            %sub3A_181 = arith.subi %div3A_160, %sub3A_180 : i32
            %select_n3A_182 = arith.select %and3A_179, %sub3A_181, %div3A_160 : i32
            %mul3A_183 = arith.constant 16 : i32
            %mul3A_184 = arith.muli %select_n3A_182, %mul3A_183 : i32
            %get3A = arith.index_cast %mul3A_184 : i32 to index
            %get3A_185 = tpu.vector_load %arg8[%get3A] {strides = array<i32>} : memref<272xi32, #tpu.memory_space<vmem>>, vector<16xi32>,
            %iota3A_186 = tpu.iota {dimensions = array<i32: 0>} : vector<16xi32>
            %jit3A_187 = arith.constant 16 : i32
            %eq3A = arith.constant 0 : i32
            %eq3A_188 = arith.cmpi eq, %jit3A_187, %eq3A : i32
            %jit3A_189 = arith.constant 1 : i32
            %select_n3A_190 = arith.select %eq3A_188, %jit3A_189, %jit3A_187 : i32
            %rem3A_191 = arith.remsi %add3A_153, %select_n3A_190 : i32
            %ne3A_192 = arith.constant 0 : i32
            %ne3A_193 = arith.cmpi ne, %rem3A_191, %ne3A_192 : i32
            %lt3A_194 = arith.constant 0 : i32
            %lt3A_195 = arith.cmpi slt, %rem3A_191, %lt3A_194 : i32
            %lt3A_196 = arith.constant 0 : i32
            %lt3A_197 = arith.cmpi slt, %select_n3A_190, %lt3A_196 : i32
            %ne3A_198 = arith.xori %lt3A_195, %lt3A_197 : i1
            %and3A_199 = arith.andi %ne3A_198, %ne3A_193 : i1
            %add3A_200 = arith.addi %rem3A_191, %select_n3A_190 : i32
            %select_n3A_201 = arith.select %and3A_199, %add3A_200, %rem3A_191 : i32
            %eq3A_202 = vector.broadcast %select_n3A_201 : i32 to vector<16xi32>
            %eq3A_203 = arith.cmpi eq, %iota3A_186, %eq3A_202 : vector<16xi32>
            %jit3A_204 = arith.constant -2147483647 : i32
            %broadcast_in_dim3A_205 = vector.broadcast %jit3A_204 : i32 to vector<16xi32>
            %select_n3A_206 = arith.select %eq3A_203, %get3A_185, %broadcast_in_dim3A_205 : vector<16xi1>, vector<16xi32>
            %reduce_max3A = arith.constant true
            %reduce_max3A_207 = vector.broadcast %reduce_max3A : i1 to vector<16xi1>
            %reduce_max3A_208 = arith.constant -2147483648 : i32
            %reduce_max3A_209 = vector.broadcast %reduce_max3A_208 : i32 to vector<16xi32>
            %reduce_max3A_210 = arith.xori %select_n3A_206, %reduce_max3A_209 : vector<16xi32>
            %reduce_max3A_211 = tpu.scan <max>, %reduce_max3A_210 masked %reduce_max3A_207 : vector<16xi32>, vector<16xi1> -> vector<16xi32>
            %reduce_max3A_212 = arith.xori %reduce_max3A_211, %reduce_max3A_209 : vector<16xi32>
            %reduce_max3A_213 = vector.extract %reduce_max3A_212[15] : i32 from vector<16xi32>
            %jit3A_214 = arith.constant 128 : i32
            %div3A_215 = arith.divsi %reduce_max3A_213, %jit3A_214 : i32
            %sign3A_216 = arith.constant 0 : i32
            %sign3A_217 = arith.cmpi sgt, %reduce_max3A_213, %sign3A_216 : i32
            %sign3A_218 = arith.extui %sign3A_217 : i1 to i32
            %sign3A_219 = arith.constant 0 : i32
            %sign3A_220 = arith.cmpi slt, %reduce_max3A_213, %sign3A_219 : i32
            %sign3A_221 = arith.extui %sign3A_220 : i1 to i32
            %sign3A_222 = arith.subi %sign3A_218, %sign3A_221 : i32
            %sign3A_223 = arith.constant 0 : i32
            %sign3A_224 = arith.cmpi sgt, %jit3A_214, %sign3A_223 : i32
            %sign3A_225 = arith.extui %sign3A_224 : i1 to i32
            %sign3A_226 = arith.constant 0 : i32
            %sign3A_227 = arith.cmpi slt, %jit3A_214, %sign3A_226 : i32
            %sign3A_228 = arith.extui %sign3A_227 : i1 to i32
            %sign3A_229 = arith.subi %sign3A_225, %sign3A_228 : i32
            %ne3A_230 = arith.cmpi ne, %sign3A_222, %sign3A_229 : i32
            %rem3A_231 = arith.remsi %reduce_max3A_213, %jit3A_214 : i32
            %ne3A_232 = arith.constant 0 : i32
            %ne3A_233 = arith.cmpi ne, %rem3A_231, %ne3A_232 : i32
            %and3A_234 = arith.andi %ne3A_230, %ne3A_233 : i1
            %sub3A_235 = arith.constant 1 : i32
            %sub3A_236 = arith.subi %div3A_215, %sub3A_235 : i32
            %select_n3A_237 = arith.select %and3A_234, %sub3A_236, %div3A_215 : i32
            %jit3A_238 = arith.constant 128 : i32
            %eq3A_239 = arith.constant 0 : i32
            %eq3A_240 = arith.cmpi eq, %jit3A_238, %eq3A_239 : i32
            %jit3A_241 = arith.constant 1 : i32
            %select_n3A_242 = arith.select %eq3A_240, %jit3A_241, %jit3A_238 : i32
            %rem3A_243 = arith.remsi %reduce_max3A_213, %select_n3A_242 : i32
            %ne3A_244 = arith.constant 0 : i32
            %ne3A_245 = arith.cmpi ne, %rem3A_243, %ne3A_244 : i32
            %lt3A_246 = arith.constant 0 : i32
            %lt3A_247 = arith.cmpi slt, %rem3A_243, %lt3A_246 : i32
            %lt3A_248 = arith.constant 0 : i32
            %lt3A_249 = arith.cmpi slt, %select_n3A_242, %lt3A_248 : i32
            %ne3A_250 = arith.xori %lt3A_247, %lt3A_249 : i1
            %and3A_251 = arith.andi %ne3A_250, %ne3A_245 : i1
            %add3A_252 = arith.addi %rem3A_243, %select_n3A_242 : i32
            %select_n3A_253 = arith.select %and3A_251, %add3A_252, %rem3A_243 : i32
            %jit3A_254 = arith.constant 8 : i32
            %div3A_255 = arith.divsi %select_n3A_253, %jit3A_254 : i32
            %sign3A_256 = arith.constant 0 : i32
            %sign3A_257 = arith.cmpi sgt, %select_n3A_253, %sign3A_256 : i32
            %sign3A_258 = arith.extui %sign3A_257 : i1 to i32
            %sign3A_259 = arith.constant 0 : i32
            %sign3A_260 = arith.cmpi slt, %select_n3A_253, %sign3A_259 : i32
            %sign3A_261 = arith.extui %sign3A_260 : i1 to i32
            %sign3A_262 = arith.subi %sign3A_258, %sign3A_261 : i32
            %sign3A_263 = arith.constant 0 : i32
            %sign3A_264 = arith.cmpi sgt, %jit3A_254, %sign3A_263 : i32
            %sign3A_265 = arith.extui %sign3A_264 : i1 to i32
            %sign3A_266 = arith.constant 0 : i32
            %sign3A_267 = arith.cmpi slt, %jit3A_254, %sign3A_266 : i32
            %sign3A_268 = arith.extui %sign3A_267 : i1 to i32
            %sign3A_269 = arith.subi %sign3A_265, %sign3A_268 : i32
            %ne3A_270 = arith.cmpi ne, %sign3A_262, %sign3A_269 : i32
            %rem3A_271 = arith.remsi %select_n3A_253, %jit3A_254 : i32
            %ne3A_272 = arith.constant 0 : i32
            %ne3A_273 = arith.cmpi ne, %rem3A_271, %ne3A_272 : i32
            %and3A_274 = arith.andi %ne3A_270, %ne3A_273 : i1
            %sub3A_275 = arith.constant 1 : i32
            %sub3A_276 = arith.subi %div3A_255, %sub3A_275 : i32
            %select_n3A_277 = arith.select %and3A_274, %sub3A_276, %div3A_255 : i32
            %mul3A_278 = arith.constant 8 : i32
            %mul3A_279 = arith.muli %select_n3A_277, %mul3A_278 : i32
            %mul3A_280 = arith.constant 8 : i32
            %mul3A_281 = arith.muli %scan3A_149, %mul3A_280 : i32
            %dma_wait3A = arith.constant 0 : i32
            %dma_wait3A_282 = tpu.memref_slice %arg9[%mul3A_281, %dma_wait3A] : memref<256x80xf32, #tpu.memory_space<vmem>> -> memref<8x80xf32, #tpu.memory_space<vmem>>
            %dma_wait3A_283 = arith.constant 0 : i32
            %dma_wait3A_284 = tpu.memref_slice %arg2[%add3A, %select_n3A_237, %mul3A_279, %dma_wait3A_283] : memref<16x128x128x80xf32, #tpu.memory_space<hbm>> -> memref<1x1x8x80xf32, #tpu.memory_space<hbm>>
            %dma_wait3A_285 = tpu.memref_squeeze %dma_wait3A_284 : memref<1x1x8x80xf32, #tpu.memory_space<hbm>> -> memref<8x80xf32, #tpu.memory_space<hbm>>
            %dma_wait3A_286 = arith.constant 0 : i32
            %dma_wait3A_287 = tpu.memref_slice %arg9[%mul3A_281, %dma_wait3A_286] : memref<256x80xf32, #tpu.memory_space<vmem>> -> memref<8x80xf32, #tpu.memory_space<vmem>>
            %dma_wait3A_288 = arith.constant 0 : i32
            %dma_wait3A_289 = tpu.memref_slice %arg2[%add3A, %select_n3A_237, %mul3A_279, %dma_wait3A_288] : memref<16x128x128x80xf32, #tpu.memory_space<hbm>> -> memref<1x1x8x80xf32, #tpu.memory_space<hbm>>
            %dma_wait3A_290 = tpu.memref_squeeze %dma_wait3A_289 : memref<1x1x8x80xf32, #tpu.memory_space<hbm>> -> memref<8x80xf32, #tpu.memory_space<hbm>>
            tpu.wait_dma2 semaphore(%arg15 : memref<!tpu.dma_semaphore, #tpu.memory_space<semaphore_mem>>) src(%dma_wait3A_290 : memref<8x80xf32, #tpu.memory_space<hbm>>) dst(%dma_wait3A_287 : memref<8x80xf32, #tpu.memory_space<vmem>>)
          } else {
          }
          %scan3A_158 = arith.constant 0 : i32
          scf.yield %scan3A_158 : i32
        }
        %scan3A_142 = arith.constant 32 : i32
        %scan3A_143 = arith.constant 0 : i32
        %scan3A_144 = arith.constant 32 : i32
        %scan3A_145 = arith.addi %scan3A_143, %scan3A_144 : i32
        %scan3A_146 = arith.constant 1 : i32
        %scan3A_147 = scf.for %scan3A_149 = %scan3A_143 to %scan3A_145 step %scan3A_146 iter_args(%scan3A_150 = %while3A_128) -> (i32)  : i32 {
          %mul3A_151 = arith.constant 32 : i32
          %mul3A_152 = arith.muli %while3A_127, %mul3A_151 : i32
          %add3A_153 = arith.addi %mul3A_152, %scan3A_149 : i32
          %lt3A_154 = arith.cmpi slt, %add3A_153, %min3A_24 : i32
          %convert_element_type3A_155 = arith.extui %lt3A_154 : i1 to i32
          %cond3A_156 = arith.constant 0 : i32
          %cond3A_157 = arith.cmpi ne, %convert_element_type3A_155, %cond3A_156 : i32
          %cond3A_158 = scf.if %cond3A_157 -> (i32) {
            %jit3A_159 = arith.constant 16 : i32
            %div3A_160 = arith.divsi %add3A_153, %jit3A_159 : i32
            %sign3A_161 = arith.constant 0 : i32
            %sign3A_162 = arith.cmpi sgt, %add3A_153, %sign3A_161 : i32
            %sign3A_163 = arith.extui %sign3A_162 : i1 to i32
            %sign3A_164 = arith.constant 0 : i32
            %sign3A_165 = arith.cmpi slt, %add3A_153, %sign3A_164 : i32
            %sign3A_166 = arith.extui %sign3A_165 : i1 to i32
            %sign3A_167 = arith.subi %sign3A_163, %sign3A_166 : i32
            %sign3A_168 = arith.constant 0 : i32
            %sign3A_169 = arith.cmpi sgt, %jit3A_159, %sign3A_168 : i32
            %sign3A_170 = arith.extui %sign3A_169 : i1 to i32
            %sign3A_171 = arith.constant 0 : i32
            %sign3A_172 = arith.cmpi slt, %jit3A_159, %sign3A_171 : i32
            %sign3A_173 = arith.extui %sign3A_172 : i1 to i32
            %sign3A_174 = arith.subi %sign3A_170, %sign3A_173 : i32
            %ne3A_175 = arith.cmpi ne, %sign3A_167, %sign3A_174 : i32
            %rem3A_176 = arith.remsi %add3A_153, %jit3A_159 : i32
            %ne3A_177 = arith.constant 0 : i32
            %ne3A_178 = arith.cmpi ne, %rem3A_176, %ne3A_177 : i32
            %and3A_179 = arith.andi %ne3A_175, %ne3A_178 : i1
            %sub3A_180 = arith.constant 1 : i32
            %sub3A_181 = arith.subi %div3A_160, %sub3A_180 : i32
            %select_n3A_182 = arith.select %and3A_179, %sub3A_181, %div3A_160 : i32
            %mul3A_183 = arith.constant 16 : i32
            %mul3A_184 = arith.muli %select_n3A_182, %mul3A_183 : i32
            %get3A = arith.index_cast %mul3A_184 : i32 to index
            %get3A_185 = tpu.vector_load %arg8[%get3A] {strides = array<i32>} : memref<272xi32, #tpu.memory_space<vmem>>, vector<16xi32>,
            %iota3A_186 = tpu.iota {dimensions = array<i32: 0>} : vector<16xi32>
            %jit3A_187 = arith.constant 16 : i32
            %eq3A = arith.constant 0 : i32
            %eq3A_188 = arith.cmpi eq, %jit3A_187, %eq3A : i32
            %jit3A_189 = arith.constant 1 : i32
            %select_n3A_190 = arith.select %eq3A_188, %jit3A_189, %jit3A_187 : i32
            %rem3A_191 = arith.remsi %add3A_153, %select_n3A_190 : i32
            %ne3A_192 = arith.constant 0 : i32
            %ne3A_193 = arith.cmpi ne, %rem3A_191, %ne3A_192 : i32
            %lt3A_194 = arith.constant 0 : i32
            %lt3A_195 = arith.cmpi slt, %rem3A_191, %lt3A_194 : i32
            %lt3A_196 = arith.constant 0 : i32
            %lt3A_197 = arith.cmpi slt, %select_n3A_190, %lt3A_196 : i32
            %ne3A_198 = arith.xori %lt3A_195, %lt3A_197 : i1
            %and3A_199 = arith.andi %ne3A_198, %ne3A_193 : i1
            %add3A_200 = arith.addi %rem3A_191, %select_n3A_190 : i32
            %select_n3A_201 = arith.select %and3A_199, %add3A_200, %rem3A_191 : i32
            %eq3A_202 = vector.broadcast %select_n3A_201 : i32 to vector<16xi32>
            %eq3A_203 = arith.cmpi eq, %iota3A_186, %eq3A_202 : vector<16xi32>
            %jit3A_204 = arith.constant -2147483647 : i32
            %broadcast_in_dim3A_205 = vector.broadcast %jit3A_204 : i32 to vector<16xi32>
            %select_n3A_206 = arith.select %eq3A_203, %get3A_185, %broadcast_in_dim3A_205 : vector<16xi1>, vector<16xi32>
            %reduce_max3A = arith.constant true
            %reduce_max3A_207 = vector.broadcast %reduce_max3A : i1 to vector<16xi1>
            %reduce_max3A_208 = arith.constant -2147483648 : i32
            %reduce_max3A_209 = vector.broadcast %reduce_max3A_208 : i32 to vector<16xi32>
            %reduce_max3A_210 = arith.xori %select_n3A_206, %reduce_max3A_209 : vector<16xi32>
            %reduce_max3A_211 = tpu.scan <max>, %reduce_max3A_210 masked %reduce_max3A_207 : vector<16xi32>, vector<16xi1> -> vector<16xi32>
            %reduce_max3A_212 = arith.xori %reduce_max3A_211, %reduce_max3A_209 : vector<16xi32>
            %reduce_max3A_213 = vector.extract %reduce_max3A_212[15] : i32 from vector<16xi32>
            %mul3A_214 = arith.constant 8 : i32
            %mul3A_215 = arith.muli %scan3A_149, %mul3A_214 : i32
            %jit3A_216 = arith.constant 8 : i32
            %eq3A_217 = arith.constant 0 : i32
            %eq3A_218 = arith.cmpi eq, %jit3A_216, %eq3A_217 : i32
            %jit3A_219 = arith.constant 1 : i32
            %select_n3A_220 = arith.select %eq3A_218, %jit3A_219, %jit3A_216 : i32
            %rem3A_221 = arith.remsi %reduce_max3A_213, %select_n3A_220 : i32
            %ne3A_222 = arith.constant 0 : i32
            %ne3A_223 = arith.cmpi ne, %rem3A_221, %ne3A_222 : i32
            %lt3A_224 = arith.constant 0 : i32
            %lt3A_225 = arith.cmpi slt, %rem3A_221, %lt3A_224 : i32
            %lt3A_226 = arith.constant 0 : i32
            %lt3A_227 = arith.cmpi slt, %select_n3A_220, %lt3A_226 : i32
            %ne3A_228 = arith.xori %lt3A_225, %lt3A_227 : i1
            %and3A_229 = arith.andi %ne3A_228, %ne3A_223 : i1
            %add3A_230 = arith.addi %rem3A_221, %select_n3A_220 : i32
            %select_n3A_231 = arith.select %and3A_229, %add3A_230, %rem3A_221 : i32
            %add3A_232 = arith.addi %mul3A_215, %select_n3A_231 : i32
            %scan3A_233 = arith.constant 0 : i32
            %scan3A_234 = arith.constant 5 : i32
            %scan3A_235 = arith.addi %scan3A_233, %scan3A_234 : i32
            %scan3A_236 = arith.constant 1 : i32
            %scan3A_237 = scf.for %scan3A_239 = %scan3A_233 to %scan3A_235 step %scan3A_236 iter_args(%scan3A_240 = %scan3A_150) -> (i32)  : i32 {
              %mul3A_241 = arith.constant 16 : i32
              %mul3A_242 = arith.muli %scan3A_239, %mul3A_241 : i32
              %get3A_243 = arith.index_cast %add3A_232 : i32 to index
              %get3A_244 = arith.index_cast %mul3A_242 : i32 to index
              %get3A_245 = tpu.vector_load %arg9[%get3A_243, %get3A_244] {strides = array<i32>} : memref<256x80xf32, #tpu.memory_space<vmem>>, vector<16xf32>,
              %ge3A = vector.broadcast %bitcast_convert_type3A : f32 to vector<16xf32>
              %ge3A_246 = arith.cmpf oge, %get3A_245, %ge3A : vector<16xf32>
              %min3A_247 = arith.constant 256 : i32
              %min3A_248 = arith.minsi %scan3A_240, %min3A_247 : i32
              %swap3A_249 = arith.index_cast %min3A_248 : i32 to index
              %swap3A_250 = tpu.vector_load %arg10[%swap3A_249] masked %ge3A_246 {strides = array<i32>} : memref<272xf32, #tpu.memory_space<vmem>>, vector<16xf32>, vector<16xi1>
              tpu.vector_store %arg10[%swap3A_249], %get3A_245 masked %ge3A_246 {strides = array<i32>} : memref<272xf32, #tpu.memory_space<vmem>>, vector<16xf32>, vector<16xi1>
              %mul3A_251 = arith.constant 80 : i32
              %mul3A_252 = arith.muli %reduce_max3A_213, %mul3A_251 : i32
              %mul3A_253 = arith.constant 16 : i32
              %mul3A_254 = arith.muli %scan3A_239, %mul3A_253 : i32
              %add3A_255 = arith.addi %mul3A_252, %mul3A_254 : i32
              %add3A_256 = vector.broadcast %add3A_255 : i32 to vector<16xi32>
              %add3A_257 = arith.addi %add3A_256, %iota3A : vector<16xi32>
              %swap3A_258 = arith.index_cast %min3A_248 : i32 to index
              %swap3A_259 = tpu.vector_load %arg11[%swap3A_258] masked %ge3A_246 {strides = array<i32>} : memref<272xi32, #tpu.memory_space<vmem>>, vector<16xi32>, vector<16xi1>
              tpu.vector_store %arg11[%swap3A_258], %add3A_257 masked %ge3A_246 {strides = array<i32>} : memref<272xi32, #tpu.memory_space<vmem>>, vector<16xi32>, vector<16xi1>
              %all_reduce_population_count3A = tpu.all_reduce %ge3A_246 {dim = 0 : i64, kind = #tpu.reduction_kind<sum>} : vector<16xi1> -> vector<16xi32>
              %reduce_max3A_260 = arith.constant true
              %reduce_max3A_261 = vector.broadcast %reduce_max3A_260 : i1 to vector<16xi1>
              %reduce_max3A_262 = arith.constant -2147483648 : i32
              %reduce_max3A_263 = vector.broadcast %reduce_max3A_262 : i32 to vector<16xi32>
              %reduce_max3A_264 = arith.xori %all_reduce_population_count3A, %reduce_max3A_263 : vector<16xi32>
              %reduce_max3A_265 = tpu.scan <max>, %reduce_max3A_264 masked %reduce_max3A_261 : vector<16xi32>, vector<16xi1> -> vector<16xi32>
              %reduce_max3A_266 = arith.xori %reduce_max3A_265, %reduce_max3A_263 : vector<16xi32>
              %reduce_max3A_267 = vector.extract %reduce_max3A_266[15] : i32 from vector<16xi32>
              %add3A_268 = arith.addi %min3A_248, %reduce_max3A_267 : i32
              scf.yield %add3A_268 : i32
            }
            %scan3A_238 = arith.constant 5 : i32
            scf.yield %scan3A_237 : i32
          } else {
            scf.yield %scan3A_150 : i32
          }
          scf.yield %cond3A_158 : i32
        }
        %scan3A_148 = arith.constant 32 : i32
        scf.yield %scan3A_147 : i32
      }
      %min3A_56 = arith.constant 256 : i32
      %min3A_57 = arith.minsi %while3A_55, %min3A_56 : i32
      %broadcast_in_dim3A = arith.constant -1.000000e+00 : f32
      %broadcast_in_dim3A_58 = vector.broadcast %broadcast_in_dim3A : f32 to vector<16xf32>
      %swap3A = arith.index_cast %min3A_57 : i32 to index
      %swap3A_59 = tpu.vector_load %arg10[%swap3A] {strides = array<i32>} : memref<272xf32, #tpu.memory_space<vmem>>, vector<16xf32>,
      tpu.vector_store %arg10[%swap3A], %broadcast_in_dim3A_58 {strides = array<i32>} : memref<272xf32, #tpu.memory_space<vmem>>, vector<16xf32>,
      %broadcast_in_dim3A_60 = arith.constant 0 : i32
      %broadcast_in_dim3A_61 = vector.broadcast %broadcast_in_dim3A_60 : i32 to vector<16xi32>
      %swap3A_62 = arith.index_cast %min3A_57 : i32 to index
      %swap3A_63 = tpu.vector_load %arg11[%swap3A_62] {strides = array<i32>} : memref<272xi32, #tpu.memory_space<vmem>>, vector<16xi32>,
      tpu.vector_store %arg11[%swap3A_62], %broadcast_in_dim3A_61 {strides = array<i32>} : memref<272xi32, #tpu.memory_space<vmem>>, vector<16xi32>,
      %broadcast_in_dim3A_64 = arith.constant 0 : i32
      %broadcast_in_dim3A_65 = vector.broadcast %broadcast_in_dim3A_64 : i32 to vector<16xi32>
      %swap3A_66 = arith.constant 96 : index
      %swap3A_67 = tpu.vector_load %arg12[%swap3A_66] {strides = array<i32>} : memref<112xi32, #tpu.memory_space<vmem>>, vector<16xi32>,
      tpu.vector_store %arg12[%swap3A_66], %broadcast_in_dim3A_65 {strides = array<i32>} : memref<112xi32, #tpu.memory_space<vmem>>, vector<16xi32>,
      %add3A_68 = arith.constant 15 : i32
      %add3A_69 = arith.addi %min3A_57, %add3A_68 : i32
      %jit3A_70 = arith.constant 16 : i32
      %div3A_71 = arith.divsi %add3A_69, %jit3A_70 : i32
      %sign3A_72 = arith.constant 0 : i32
      %sign3A_73 = arith.cmpi sgt, %add3A_69, %sign3A_72 : i32
      %sign3A_74 = arith.extui %sign3A_73 : i1 to i32
      %sign3A_75 = arith.constant 0 : i32
      %sign3A_76 = arith.cmpi slt, %add3A_69, %sign3A_75 : i32
      %sign3A_77 = arith.extui %sign3A_76 : i1 to i32
      %sign3A_78 = arith.subi %sign3A_74, %sign3A_77 : i32
      %sign3A_79 = arith.constant 0 : i32
      %sign3A_80 = arith.cmpi sgt, %jit3A_70, %sign3A_79 : i32
      %sign3A_81 = arith.extui %sign3A_80 : i1 to i32
      %sign3A_82 = arith.constant 0 : i32
      %sign3A_83 = arith.cmpi slt, %jit3A_70, %sign3A_82 : i32
      %sign3A_84 = arith.extui %sign3A_83 : i1 to i32
      %sign3A_85 = arith.subi %sign3A_81, %sign3A_84 : i32
      %ne3A_86 = arith.cmpi ne, %sign3A_78, %sign3A_85 : i32
      %rem3A_87 = arith.remsi %add3A_69, %jit3A_70 : i32
      %ne3A_88 = arith.constant 0 : i32
      %ne3A_89 = arith.cmpi ne, %rem3A_87, %ne3A_88 : i32
      %and3A_90 = arith.andi %ne3A_86, %ne3A_89 : i1
      %sub3A_91 = arith.constant 1 : i32
      %sub3A_92 = arith.subi %div3A_71, %sub3A_91 : i32
      %select_n3A_93 = arith.select %and3A_90, %sub3A_92, %div3A_71 : i32
      %while3A_94 = arith.constant 0 : i32
      %while3A_95 = arith.constant 0 : i32
      %while3A_96 = arith.subi %min3A_57, %while3A_94 : i32
      %while3A_97 = arith.addi %while3A_94, %while3A_96 : i32
      %while3A_98 = arith.constant 1 : i32
      %while3A_99 = arith.divsi %while3A_96, %while3A_98 : i32
      %while3A_100 = arith.muli %while3A_99, %while3A_98 : i32
      %while3A_101 = arith.addi %while3A_94, %while3A_100 : i32
      %while3A_102 = arith.constant 1 : i32
      %while3A_103 = scf.for %while3A_127 = %while3A_94 to %while3A_101 step %while3A_102 iter_args(%while3A_128 = %while3A_95) -> (i32)  : i32 {
        %jit3A_129 = arith.constant 16 : i32
        %div3A_130 = arith.divsi %while3A_127, %jit3A_129 : i32
        %sign3A_131 = arith.constant 0 : i32
        %sign3A_132 = arith.cmpi sgt, %while3A_127, %sign3A_131 : i32
        %sign3A_133 = arith.extui %sign3A_132 : i1 to i32
        %sign3A_134 = arith.constant 0 : i32
        %sign3A_135 = arith.cmpi slt, %while3A_127, %sign3A_134 : i32
        %sign3A_136 = arith.extui %sign3A_135 : i1 to i32
        %sign3A_137 = arith.subi %sign3A_133, %sign3A_136 : i32
        %sign3A_138 = arith.constant 0 : i32
        %sign3A_139 = arith.cmpi sgt, %jit3A_129, %sign3A_138 : i32
        %sign3A_140 = arith.extui %sign3A_139 : i1 to i32
        %sign3A_141 = arith.constant 0 : i32
        %sign3A_142 = arith.cmpi slt, %jit3A_129, %sign3A_141 : i32
        %sign3A_143 = arith.extui %sign3A_142 : i1 to i32
        %sign3A_144 = arith.subi %sign3A_140, %sign3A_143 : i32
        %ne3A_145 = arith.cmpi ne, %sign3A_137, %sign3A_144 : i32
        %rem3A_146 = arith.remsi %while3A_127, %jit3A_129 : i32
        %ne3A_147 = arith.constant 0 : i32
        %ne3A_148 = arith.cmpi ne, %rem3A_146, %ne3A_147 : i32
        %and3A_149 = arith.andi %ne3A_145, %ne3A_148 : i1
        %sub3A_150 = arith.constant 1 : i32
        %sub3A_151 = arith.subi %div3A_130, %sub3A_150 : i32
        %select_n3A_152 = arith.select %and3A_149, %sub3A_151, %div3A_130 : i32
        %mul3A_153 = arith.constant 16 : i32
        %mul3A_154 = arith.muli %select_n3A_152, %mul3A_153 : i32
        %get3A = arith.index_cast %mul3A_154 : i32 to index
        %get3A_155 = tpu.vector_load %arg10[%get3A] {strides = array<i32>} : memref<272xf32, #tpu.memory_space<vmem>>, vector<16xf32>,
        %iota3A_156 = tpu.iota {dimensions = array<i32: 0>} : vector<16xi32>
        %jit3A_157 = arith.constant 16 : i32
        %eq3A = arith.constant 0 : i32
        %eq3A_158 = arith.cmpi eq, %jit3A_157, %eq3A : i32
        %jit3A_159 = arith.constant 1 : i32
        %select_n3A_160 = arith.select %eq3A_158, %jit3A_159, %jit3A_157 : i32
        %rem3A_161 = arith.remsi %while3A_127, %select_n3A_160 : i32
        %ne3A_162 = arith.constant 0 : i32
        %ne3A_163 = arith.cmpi ne, %rem3A_161, %ne3A_162 : i32
        %lt3A_164 = arith.constant 0 : i32
        %lt3A_165 = arith.cmpi slt, %rem3A_161, %lt3A_164 : i32
        %lt3A_166 = arith.constant 0 : i32
        %lt3A_167 = arith.cmpi slt, %select_n3A_160, %lt3A_166 : i32
        %ne3A_168 = arith.xori %lt3A_165, %lt3A_167 : i1
        %and3A_169 = arith.andi %ne3A_168, %ne3A_163 : i1
        %add3A_170 = arith.addi %rem3A_161, %select_n3A_160 : i32
        %select_n3A_171 = arith.select %and3A_169, %add3A_170, %rem3A_161 : i32
        %eq3A_172 = vector.broadcast %select_n3A_171 : i32 to vector<16xi32>
        %eq3A_173 = arith.cmpi eq, %iota3A_156, %eq3A_172 : vector<16xi32>
        %jit3A_174 = arith.constant -3.000000e+00 : f32
        %broadcast_in_dim3A_175 = vector.broadcast %jit3A_174 : f32 to vector<16xf32>
        %select_n3A_176 = arith.select %eq3A_173, %get3A_155, %broadcast_in_dim3A_175 : vector<16xi1>, vector<16xf32>
        %reduce_max3A = arith.constant true
        %reduce_max3A_177 = vector.broadcast %reduce_max3A : i1 to vector<16xi1>
        %reduce_max3A_178 = tpu.scan <max>, %select_n3A_176 masked %reduce_max3A_177 : vector<16xf32>, vector<16xi1> -> vector<16xf32>
        %reduce_max3A_179 = vector.extract %reduce_max3A_178[15] : f32 from vector<16xf32>
        %jit3A_180 = arith.constant 16 : i32
        %div3A_181 = arith.divsi %while3A_127, %jit3A_180 : i32
        %sign3A_182 = arith.constant 0 : i32
        %sign3A_183 = arith.cmpi sgt, %while3A_127, %sign3A_182 : i32
        %sign3A_184 = arith.extui %sign3A_183 : i1 to i32
        %sign3A_185 = arith.constant 0 : i32
        %sign3A_186 = arith.cmpi slt, %while3A_127, %sign3A_185 : i32
        %sign3A_187 = arith.extui %sign3A_186 : i1 to i32
        %sign3A_188 = arith.subi %sign3A_184, %sign3A_187 : i32
        %sign3A_189 = arith.constant 0 : i32
        %sign3A_190 = arith.cmpi sgt, %jit3A_180, %sign3A_189 : i32
        %sign3A_191 = arith.extui %sign3A_190 : i1 to i32
        %sign3A_192 = arith.constant 0 : i32
        %sign3A_193 = arith.cmpi slt, %jit3A_180, %sign3A_192 : i32
        %sign3A_194 = arith.extui %sign3A_193 : i1 to i32
        %sign3A_195 = arith.subi %sign3A_191, %sign3A_194 : i32
        %ne3A_196 = arith.cmpi ne, %sign3A_188, %sign3A_195 : i32
        %rem3A_197 = arith.remsi %while3A_127, %jit3A_180 : i32
        %ne3A_198 = arith.constant 0 : i32
        %ne3A_199 = arith.cmpi ne, %rem3A_197, %ne3A_198 : i32
        %and3A_200 = arith.andi %ne3A_196, %ne3A_199 : i1
        %sub3A_201 = arith.constant 1 : i32
        %sub3A_202 = arith.subi %div3A_181, %sub3A_201 : i32
        %select_n3A_203 = arith.select %and3A_200, %sub3A_202, %div3A_181 : i32
        %mul3A_204 = arith.constant 16 : i32
        %mul3A_205 = arith.muli %select_n3A_203, %mul3A_204 : i32
        %get3A_206 = arith.index_cast %mul3A_205 : i32 to index
        %get3A_207 = tpu.vector_load %arg11[%get3A_206] {strides = array<i32>} : memref<272xi32, #tpu.memory_space<vmem>>, vector<16xi32>,
        %iota3A_208 = tpu.iota {dimensions = array<i32: 0>} : vector<16xi32>
        %jit3A_209 = arith.constant 16 : i32
        %eq3A_210 = arith.constant 0 : i32
        %eq3A_211 = arith.cmpi eq, %jit3A_209, %eq3A_210 : i32
        %jit3A_212 = arith.constant 1 : i32
        %select_n3A_213 = arith.select %eq3A_211, %jit3A_212, %jit3A_209 : i32
        %rem3A_214 = arith.remsi %while3A_127, %select_n3A_213 : i32
        %ne3A_215 = arith.constant 0 : i32
        %ne3A_216 = arith.cmpi ne, %rem3A_214, %ne3A_215 : i32
        %lt3A_217 = arith.constant 0 : i32
        %lt3A_218 = arith.cmpi slt, %rem3A_214, %lt3A_217 : i32
        %lt3A_219 = arith.constant 0 : i32
        %lt3A_220 = arith.cmpi slt, %select_n3A_213, %lt3A_219 : i32
        %ne3A_221 = arith.xori %lt3A_218, %lt3A_220 : i1
        %and3A_222 = arith.andi %ne3A_221, %ne3A_216 : i1
        %add3A_223 = arith.addi %rem3A_214, %select_n3A_213 : i32
        %select_n3A_224 = arith.select %and3A_222, %add3A_223, %rem3A_214 : i32
        %eq3A_225 = vector.broadcast %select_n3A_224 : i32 to vector<16xi32>
        %eq3A_226 = arith.cmpi eq, %iota3A_208, %eq3A_225 : vector<16xi32>
        %jit3A_227 = arith.constant -2147483647 : i32
        %broadcast_in_dim3A_228 = vector.broadcast %jit3A_227 : i32 to vector<16xi32>
        %select_n3A_229 = arith.select %eq3A_226, %get3A_207, %broadcast_in_dim3A_228 : vector<16xi1>, vector<16xi32>
        %reduce_max3A_230 = arith.constant true
        %reduce_max3A_231 = vector.broadcast %reduce_max3A_230 : i1 to vector<16xi1>
        %reduce_max3A_232 = arith.constant -2147483648 : i32
        %reduce_max3A_233 = vector.broadcast %reduce_max3A_232 : i32 to vector<16xi32>
        %reduce_max3A_234 = arith.xori %select_n3A_229, %reduce_max3A_233 : vector<16xi32>
        %reduce_max3A_235 = tpu.scan <max>, %reduce_max3A_234 masked %reduce_max3A_231 : vector<16xi32>, vector<16xi1> -> vector<16xi32>
        %reduce_max3A_236 = arith.xori %reduce_max3A_235, %reduce_max3A_233 : vector<16xi32>
        %reduce_max3A_237 = vector.extract %reduce_max3A_236[15] : i32 from vector<16xi32>
        %broadcast_in_dim3A_238 = arith.constant 0 : i32
        %broadcast_in_dim3A_239 = vector.broadcast %broadcast_in_dim3A_238 : i32 to vector<16xi32>
        %while3A_240 = arith.constant 0 : i32
        %while3A_241 = arith.subi %select_n3A_93, %while3A_240 : i32
        %while3A_242 = arith.addi %while3A_240, %while3A_241 : i32
        %while3A_243 = arith.constant 1 : i32
        %while3A_244 = arith.divsi %while3A_241, %while3A_243 : i32
        %while3A_245 = arith.muli %while3A_244, %while3A_243 : i32
        %while3A_246 = arith.addi %while3A_240, %while3A_245 : i32
        %while3A_247 = arith.constant 1 : i32
        %while3A_248 = scf.for %while3A_265 = %while3A_240 to %while3A_246 step %while3A_247 iter_args(%while3A_266 = %broadcast_in_dim3A_239) -> (vector<16xi32>)  : i32 {
          %mul3A_267 = arith.constant 16 : i32
          %mul3A_268 = arith.muli %while3A_265, %mul3A_267 : i32
          %get3A_269 = arith.index_cast %mul3A_268 : i32 to index
          %get3A_270 = tpu.vector_load %arg10[%get3A_269] {strides = array<i32>} : memref<272xf32, #tpu.memory_space<vmem>>, vector<16xf32>,
          %mul3A_271 = arith.constant 16 : i32
          %mul3A_272 = arith.muli %while3A_265, %mul3A_271 : i32
          %get3A_273 = arith.index_cast %mul3A_272 : i32 to index
          %get3A_274 = tpu.vector_load %arg11[%get3A_273] {strides = array<i32>} : memref<272xi32, #tpu.memory_space<vmem>>, vector<16xi32>,
          %gt3A = vector.broadcast %reduce_max3A_179 : f32 to vector<16xf32>
          %gt3A_275 = arith.cmpf ogt, %get3A_270, %gt3A : vector<16xf32>
          %eq3A_276 = vector.broadcast %reduce_max3A_179 : f32 to vector<16xf32>
          %eq3A_277 = arith.cmpf oeq, %get3A_270, %eq3A_276 : vector<16xf32>
          %lt3A_278 = vector.broadcast %reduce_max3A_237 : i32 to vector<16xi32>
          %lt3A_279 = arith.cmpi slt, %get3A_274, %lt3A_278 : vector<16xi32>
          %and3A_280 = arith.andi %eq3A_277, %lt3A_279 : vector<16xi1>
          %or3A = arith.ori %gt3A_275, %and3A_280 : vector<16xi1>
          %all_reduce_population_count3A = tpu.all_reduce %or3A {dim = 0 : i64, kind = #tpu.reduction_kind<sum>} : vector<16xi1> -> vector<16xi32>
          %add3A_281 = arith.addi %while3A_266, %all_reduce_population_count3A : vector<16xi32>
          scf.yield %add3A_281 : vector<16xi32>
        }
        %while3A_249 = arith.constant 1 : i32
        %while3A_250 = scf.for %while3A_265 = %while3A_246 to %while3A_242 step %while3A_249 iter_args(%while3A_266 = %while3A_248) -> (vector<16xi32>)  : i32 {
          %mul3A_267 = arith.constant 16 : i32
          %mul3A_268 = arith.muli %while3A_265, %mul3A_267 : i32
          %get3A_269 = arith.index_cast %mul3A_268 : i32 to index
          %get3A_270 = tpu.vector_load %arg10[%get3A_269] {strides = array<i32>} : memref<272xf32, #tpu.memory_space<vmem>>, vector<16xf32>,
          %mul3A_271 = arith.constant 16 : i32
          %mul3A_272 = arith.muli %while3A_265, %mul3A_271 : i32
          %get3A_273 = arith.index_cast %mul3A_272 : i32 to index
          %get3A_274 = tpu.vector_load %arg11[%get3A_273] {strides = array<i32>} : memref<272xi32, #tpu.memory_space<vmem>>, vector<16xi32>,
          %gt3A = vector.broadcast %reduce_max3A_179 : f32 to vector<16xf32>
          %gt3A_275 = arith.cmpf ogt, %get3A_270, %gt3A : vector<16xf32>
          %eq3A_276 = vector.broadcast %reduce_max3A_179 : f32 to vector<16xf32>
          %eq3A_277 = arith.cmpf oeq, %get3A_270, %eq3A_276 : vector<16xf32>
          %lt3A_278 = vector.broadcast %reduce_max3A_237 : i32 to vector<16xi32>
          %lt3A_279 = arith.cmpi slt, %get3A_274, %lt3A_278 : vector<16xi32>
          %and3A_280 = arith.andi %eq3A_277, %lt3A_279 : vector<16xi1>
          %or3A = arith.ori %gt3A_275, %and3A_280 : vector<16xi1>
          %all_reduce_population_count3A = tpu.all_reduce %or3A {dim = 0 : i64, kind = #tpu.reduction_kind<sum>} : vector<16xi1> -> vector<16xi32>
          %add3A_281 = arith.addi %while3A_266, %all_reduce_population_count3A : vector<16xi32>
          scf.yield %add3A_281 : vector<16xi32>
        }
        %reduce_max3A_251 = arith.constant true
        %reduce_max3A_252 = vector.broadcast %reduce_max3A_251 : i1 to vector<16xi1>
        %reduce_max3A_253 = arith.constant -2147483648 : i32
        %reduce_max3A_254 = vector.broadcast %reduce_max3A_253 : i32 to vector<16xi32>
        %reduce_max3A_255 = arith.xori %while3A_250, %reduce_max3A_254 : vector<16xi32>
        %reduce_max3A_256 = tpu.scan <max>, %reduce_max3A_255 masked %reduce_max3A_252 : vector<16xi32>, vector<16xi1> -> vector<16xi32>
        %reduce_max3A_257 = arith.xori %reduce_max3A_256, %reduce_max3A_254 : vector<16xi32>
        %reduce_max3A_258 = vector.extract %reduce_max3A_257[15] : i32 from vector<16xi32>
        %lt3A_259 = arith.constant 100 : i32
        %lt3A_260 = arith.cmpi slt, %reduce_max3A_258, %lt3A_259 : i32
        %convert_element_type3A_261 = arith.extui %lt3A_260 : i1 to i32
        %cond3A_262 = arith.constant 0 : i32
        %cond3A_263 = arith.cmpi ne, %convert_element_type3A_261, %cond3A_262 : i32
        scf.if %cond3A_263 {
          %eq3A_265 = arith.constant 0 : i32
          %eq3A_266 = vector.broadcast %eq3A_265 : i32 to vector<16xi32>
          %eq3A_267 = arith.cmpi eq, %iota3A, %eq3A_266 : vector<16xi32>
          %mul3A_268 = arith.constant 6 : i32
          %mul3A_269 = arith.muli %reduce_max3A_258, %mul3A_268 : i32
          %add3A_270 = arith.constant 4 : i32
          %add3A_271 = arith.addi %mul3A_269, %add3A_270 : i32
          %broadcast_in_dim3A_272 = vector.broadcast %add3A_271 : i32 to vector<16xi32>
          %broadcast_in_dim3A_273 = vector.broadcast %reduce_max3A_179 : f32 to vector<16xf32>
          tpu.vector_store_idx %arg14[%broadcast_in_dim3A_272], %broadcast_in_dim3A_273 masked %eq3A_267 : memref<640xf32, #tpu.memory_space<vmem>>[vector<16xi32>], vector<16xf32>, vector<16xi1>
          %mul3A_274 = arith.constant 6 : i32
          %mul3A_275 = arith.muli %reduce_max3A_258, %mul3A_274 : i32
          %add3A_276 = arith.constant 5 : i32
          %add3A_277 = arith.addi %mul3A_275, %add3A_276 : i32
          %broadcast_in_dim3A_278 = vector.broadcast %add3A_277 : i32 to vector<16xi32>
          %jit3A_279 = arith.constant 80 : i32
          %eq3A_280 = arith.constant 0 : i32
          %eq3A_281 = arith.cmpi eq, %jit3A_279, %eq3A_280 : i32
          %jit3A_282 = arith.constant 1 : i32
          %select_n3A_283 = arith.select %eq3A_281, %jit3A_282, %jit3A_279 : i32
          %rem3A_284 = arith.remsi %reduce_max3A_237, %select_n3A_283 : i32
          %ne3A_285 = arith.constant 0 : i32
          %ne3A_286 = arith.cmpi ne, %rem3A_284, %ne3A_285 : i32
          %lt3A_287 = arith.constant 0 : i32
          %lt3A_288 = arith.cmpi slt, %rem3A_284, %lt3A_287 : i32
          %lt3A_289 = arith.constant 0 : i32
          %lt3A_290 = arith.cmpi slt, %select_n3A_283, %lt3A_289 : i32
          %ne3A_291 = arith.xori %lt3A_288, %lt3A_290 : i1
          %and3A_292 = arith.andi %ne3A_291, %ne3A_286 : i1
          %add3A_293 = arith.addi %rem3A_284, %select_n3A_283 : i32
          %select_n3A_294 = arith.select %and3A_292, %add3A_293, %rem3A_284 : i32
          %convert_element_type3A_295 = arith.sitofp %select_n3A_294 : i32 to f32
          %broadcast_in_dim3A_296 = vector.broadcast %convert_element_type3A_295 : f32 to vector<16xf32>
          tpu.vector_store_idx %arg14[%broadcast_in_dim3A_278], %broadcast_in_dim3A_296 masked %eq3A_267 : memref<640xf32, #tpu.memory_space<vmem>>[vector<16xi32>], vector<16xf32>, vector<16xi1>
          %broadcast_in_dim3A_297 = vector.broadcast %reduce_max3A_258 : i32 to vector<16xi32>
          %jit3A_298 = arith.constant 80 : i32
          %div3A_299 = arith.divsi %reduce_max3A_237, %jit3A_298 : i32
          %sign3A_300 = arith.constant 0 : i32
          %sign3A_301 = arith.cmpi sgt, %reduce_max3A_237, %sign3A_300 : i32
          %sign3A_302 = arith.extui %sign3A_301 : i1 to i32
          %sign3A_303 = arith.constant 0 : i32
          %sign3A_304 = arith.cmpi slt, %reduce_max3A_237, %sign3A_303 : i32
          %sign3A_305 = arith.extui %sign3A_304 : i1 to i32
          %sign3A_306 = arith.subi %sign3A_302, %sign3A_305 : i32
          %sign3A_307 = arith.constant 0 : i32
          %sign3A_308 = arith.cmpi sgt, %jit3A_298, %sign3A_307 : i32
          %sign3A_309 = arith.extui %sign3A_308 : i1 to i32
          %sign3A_310 = arith.constant 0 : i32
          %sign3A_311 = arith.cmpi slt, %jit3A_298, %sign3A_310 : i32
          %sign3A_312 = arith.extui %sign3A_311 : i1 to i32
          %sign3A_313 = arith.subi %sign3A_309, %sign3A_312 : i32
          %ne3A_314 = arith.cmpi ne, %sign3A_306, %sign3A_313 : i32
          %rem3A_315 = arith.remsi %reduce_max3A_237, %jit3A_298 : i32
          %ne3A_316 = arith.constant 0 : i32
          %ne3A_317 = arith.cmpi ne, %rem3A_315, %ne3A_316 : i32
          %and3A_318 = arith.andi %ne3A_314, %ne3A_317 : i1
          %sub3A_319 = arith.constant 1 : i32
          %sub3A_320 = arith.subi %div3A_299, %sub3A_319 : i32
          %select_n3A_321 = arith.select %and3A_318, %sub3A_320, %div3A_299 : i32
          %broadcast_in_dim3A_322 = vector.broadcast %select_n3A_321 : i32 to vector<16xi32>
          tpu.vector_store_idx %arg12[%broadcast_in_dim3A_297], %broadcast_in_dim3A_322 masked %eq3A_267 : memref<112xi32, #tpu.memory_space<vmem>>[vector<16xi32>], vector<16xi32>, vector<16xi1>
          %jit3A_323 = arith.constant 80 : i32
          %div3A_324 = arith.divsi %reduce_max3A_237, %jit3A_323 : i32
          %sign3A_325 = arith.constant 0 : i32
          %sign3A_326 = arith.cmpi sgt, %reduce_max3A_237, %sign3A_325 : i32
          %sign3A_327 = arith.extui %sign3A_326 : i1 to i32
          %sign3A_328 = arith.constant 0 : i32
          %sign3A_329 = arith.cmpi slt, %reduce_max3A_237, %sign3A_328 : i32
          %sign3A_330 = arith.extui %sign3A_329 : i1 to i32
          %sign3A_331 = arith.subi %sign3A_327, %sign3A_330 : i32
          %sign3A_332 = arith.constant 0 : i32
          %sign3A_333 = arith.cmpi sgt, %jit3A_323, %sign3A_332 : i32
          %sign3A_334 = arith.extui %sign3A_333 : i1 to i32
          %sign3A_335 = arith.constant 0 : i32
          %sign3A_336 = arith.cmpi slt, %jit3A_323, %sign3A_335 : i32
          %sign3A_337 = arith.extui %sign3A_336 : i1 to i32
          %sign3A_338 = arith.subi %sign3A_334, %sign3A_337 : i32
          %ne3A_339 = arith.cmpi ne, %sign3A_331, %sign3A_338 : i32
          %rem3A_340 = arith.remsi %reduce_max3A_237, %jit3A_323 : i32
          %ne3A_341 = arith.constant 0 : i32
          %ne3A_342 = arith.cmpi ne, %rem3A_340, %ne3A_341 : i32
          %and3A_343 = arith.andi %ne3A_339, %ne3A_342 : i1
          %sub3A_344 = arith.constant 1 : i32
          %sub3A_345 = arith.subi %div3A_324, %sub3A_344 : i32
          %select_n3A_346 = arith.select %and3A_343, %sub3A_345, %div3A_324 : i32
          %jit3A_347 = arith.constant 32 : i32
          %div3A_348 = arith.divsi %select_n3A_346, %jit3A_347 : i32
          %sign3A_349 = arith.constant 0 : i32
          %sign3A_350 = arith.cmpi sgt, %select_n3A_346, %sign3A_349 : i32
          %sign3A_351 = arith.extui %sign3A_350 : i1 to i32
          %sign3A_352 = arith.constant 0 : i32
          %sign3A_353 = arith.cmpi slt, %select_n3A_346, %sign3A_352 : i32
          %sign3A_354 = arith.extui %sign3A_353 : i1 to i32
          %sign3A_355 = arith.subi %sign3A_351, %sign3A_354 : i32
          %sign3A_356 = arith.constant 0 : i32
          %sign3A_357 = arith.cmpi sgt, %jit3A_347, %sign3A_356 : i32
          %sign3A_358 = arith.extui %sign3A_357 : i1 to i32
          %sign3A_359 = arith.constant 0 : i32
          %sign3A_360 = arith.cmpi slt, %jit3A_347, %sign3A_359 : i32
          %sign3A_361 = arith.extui %sign3A_360 : i1 to i32
          %sign3A_362 = arith.subi %sign3A_358, %sign3A_361 : i32
          %ne3A_363 = arith.cmpi ne, %sign3A_355, %sign3A_362 : i32
          %rem3A_364 = arith.remsi %select_n3A_346, %jit3A_347 : i32
          %ne3A_365 = arith.constant 0 : i32
          %ne3A_366 = arith.cmpi ne, %rem3A_364, %ne3A_365 : i32
          %and3A_367 = arith.andi %ne3A_363, %ne3A_366 : i1
          %sub3A_368 = arith.constant 1 : i32
          %sub3A_369 = arith.subi %div3A_348, %sub3A_368 : i32
          %select_n3A_370 = arith.select %and3A_367, %sub3A_369, %div3A_348 : i32
          %dma_start3A = arith.constant 0 : i32
          %dma_start3A_371 = tpu.memref_slice %arg13[%reduce_max3A_258, %dma_start3A] : memref<112x128xf32, #tpu.memory_space<vmem>> -> memref<1x128xf32, #tpu.memory_space<vmem>>
          %dma_start3A_372 = tpu.memref_squeeze %dma_start3A_371 : memref<1x128xf32, #tpu.memory_space<vmem>> -> memref<128xf32, #tpu.memory_space<vmem>>
          %dma_start3A_373 = arith.constant 0 : i32
          %dma_start3A_374 = tpu.memref_slice %arg3[%add3A, %select_n3A_370, %dma_start3A_373] : memref<16x512x128xf32, #tpu.memory_space<hbm>> -> memref<1x1x128xf32, #tpu.memory_space<hbm>>
          %dma_start3A_375 = tpu.memref_squeeze %dma_start3A_374 : memref<1x1x128xf32, #tpu.memory_space<hbm>> -> memref<128xf32, #tpu.memory_space<hbm>>
          %dma_start3A_376 = arith.constant 0 : i32
          %dma_start3A_377 = tpu.memref_slice %arg13[%reduce_max3A_258, %dma_start3A_376] : memref<112x128xf32, #tpu.memory_space<vmem>> -> memref<1x128xf32, #tpu.memory_space<vmem>>
          %dma_start3A_378 = tpu.memref_squeeze %dma_start3A_377 : memref<1x128xf32, #tpu.memory_space<vmem>> -> memref<128xf32, #tpu.memory_space<vmem>>
          %dma_start3A_379 = arith.constant 0 : i32
          %dma_start3A_380 = tpu.memref_slice %arg3[%add3A, %select_n3A_370, %dma_start3A_379] : memref<16x512x128xf32, #tpu.memory_space<hbm>> -> memref<1x1x128xf32, #tpu.memory_space<hbm>>
          %dma_start3A_381 = tpu.memref_squeeze %dma_start3A_380 : memref<1x1x128xf32, #tpu.memory_space<hbm>> -> memref<128xf32, #tpu.memory_space<hbm>>
          tpu.enqueue_dma source(%dma_start3A_381 : memref<128xf32, #tpu.memory_space<hbm>>) target(%dma_start3A_378 : memref<128xf32, #tpu.memory_space<vmem>>) target_semaphore(%arg16 : memref<!tpu.dma_semaphore, #tpu.memory_space<semaphore_mem>>)
        } else {
        }
        %while3A_264 = arith.constant 0 : i32
        scf.yield %while3A_264 : i32
      }
      %while3A_104 = arith.constant 1 : i32
      %while3A_105 = scf.for %while3A_127 = %while3A_101 to %while3A_97 step %while3A_104 iter_args(%while3A_128 = %while3A_103) -> (i32)  : i32 {
        %jit3A_129 = arith.constant 16 : i32
        %div3A_130 = arith.divsi %while3A_127, %jit3A_129 : i32
        %sign3A_131 = arith.constant 0 : i32
        %sign3A_132 = arith.cmpi sgt, %while3A_127, %sign3A_131 : i32
        %sign3A_133 = arith.extui %sign3A_132 : i1 to i32
        %sign3A_134 = arith.constant 0 : i32
        %sign3A_135 = arith.cmpi slt, %while3A_127, %sign3A_134 : i32
        %sign3A_136 = arith.extui %sign3A_135 : i1 to i32
        %sign3A_137 = arith.subi %sign3A_133, %sign3A_136 : i32
        %sign3A_138 = arith.constant 0 : i32
        %sign3A_139 = arith.cmpi sgt, %jit3A_129, %sign3A_138 : i32
        %sign3A_140 = arith.extui %sign3A_139 : i1 to i32
        %sign3A_141 = arith.constant 0 : i32
        %sign3A_142 = arith.cmpi slt, %jit3A_129, %sign3A_141 : i32
        %sign3A_143 = arith.extui %sign3A_142 : i1 to i32
        %sign3A_144 = arith.subi %sign3A_140, %sign3A_143 : i32
        %ne3A_145 = arith.cmpi ne, %sign3A_137, %sign3A_144 : i32
        %rem3A_146 = arith.remsi %while3A_127, %jit3A_129 : i32
        %ne3A_147 = arith.constant 0 : i32
        %ne3A_148 = arith.cmpi ne, %rem3A_146, %ne3A_147 : i32
        %and3A_149 = arith.andi %ne3A_145, %ne3A_148 : i1
        %sub3A_150 = arith.constant 1 : i32
        %sub3A_151 = arith.subi %div3A_130, %sub3A_150 : i32
        %select_n3A_152 = arith.select %and3A_149, %sub3A_151, %div3A_130 : i32
        %mul3A_153 = arith.constant 16 : i32
        %mul3A_154 = arith.muli %select_n3A_152, %mul3A_153 : i32
        %get3A = arith.index_cast %mul3A_154 : i32 to index
        %get3A_155 = tpu.vector_load %arg10[%get3A] {strides = array<i32>} : memref<272xf32, #tpu.memory_space<vmem>>, vector<16xf32>,
        %iota3A_156 = tpu.iota {dimensions = array<i32: 0>} : vector<16xi32>
        %jit3A_157 = arith.constant 16 : i32
        %eq3A = arith.constant 0 : i32
        %eq3A_158 = arith.cmpi eq, %jit3A_157, %eq3A : i32
        %jit3A_159 = arith.constant 1 : i32
        %select_n3A_160 = arith.select %eq3A_158, %jit3A_159, %jit3A_157 : i32
        %rem3A_161 = arith.remsi %while3A_127, %select_n3A_160 : i32
        %ne3A_162 = arith.constant 0 : i32
        %ne3A_163 = arith.cmpi ne, %rem3A_161, %ne3A_162 : i32
        %lt3A_164 = arith.constant 0 : i32
        %lt3A_165 = arith.cmpi slt, %rem3A_161, %lt3A_164 : i32
        %lt3A_166 = arith.constant 0 : i32
        %lt3A_167 = arith.cmpi slt, %select_n3A_160, %lt3A_166 : i32
        %ne3A_168 = arith.xori %lt3A_165, %lt3A_167 : i1
        %and3A_169 = arith.andi %ne3A_168, %ne3A_163 : i1
        %add3A_170 = arith.addi %rem3A_161, %select_n3A_160 : i32
        %select_n3A_171 = arith.select %and3A_169, %add3A_170, %rem3A_161 : i32
        %eq3A_172 = vector.broadcast %select_n3A_171 : i32 to vector<16xi32>
        %eq3A_173 = arith.cmpi eq, %iota3A_156, %eq3A_172 : vector<16xi32>
        %jit3A_174 = arith.constant -3.000000e+00 : f32
        %broadcast_in_dim3A_175 = vector.broadcast %jit3A_174 : f32 to vector<16xf32>
        %select_n3A_176 = arith.select %eq3A_173, %get3A_155, %broadcast_in_dim3A_175 : vector<16xi1>, vector<16xf32>
        %reduce_max3A = arith.constant true
        %reduce_max3A_177 = vector.broadcast %reduce_max3A : i1 to vector<16xi1>
        %reduce_max3A_178 = tpu.scan <max>, %select_n3A_176 masked %reduce_max3A_177 : vector<16xf32>, vector<16xi1> -> vector<16xf32>
        %reduce_max3A_179 = vector.extract %reduce_max3A_178[15] : f32 from vector<16xf32>
        %jit3A_180 = arith.constant 16 : i32
        %div3A_181 = arith.divsi %while3A_127, %jit3A_180 : i32
        %sign3A_182 = arith.constant 0 : i32
        %sign3A_183 = arith.cmpi sgt, %while3A_127, %sign3A_182 : i32
        %sign3A_184 = arith.extui %sign3A_183 : i1 to i32
        %sign3A_185 = arith.constant 0 : i32
        %sign3A_186 = arith.cmpi slt, %while3A_127, %sign3A_185 : i32
        %sign3A_187 = arith.extui %sign3A_186 : i1 to i32
        %sign3A_188 = arith.subi %sign3A_184, %sign3A_187 : i32
        %sign3A_189 = arith.constant 0 : i32
        %sign3A_190 = arith.cmpi sgt, %jit3A_180, %sign3A_189 : i32
        %sign3A_191 = arith.extui %sign3A_190 : i1 to i32
        %sign3A_192 = arith.constant 0 : i32
        %sign3A_193 = arith.cmpi slt, %jit3A_180, %sign3A_192 : i32
        %sign3A_194 = arith.extui %sign3A_193 : i1 to i32
        %sign3A_195 = arith.subi %sign3A_191, %sign3A_194 : i32
        %ne3A_196 = arith.cmpi ne, %sign3A_188, %sign3A_195 : i32
        %rem3A_197 = arith.remsi %while3A_127, %jit3A_180 : i32
        %ne3A_198 = arith.constant 0 : i32
        %ne3A_199 = arith.cmpi ne, %rem3A_197, %ne3A_198 : i32
        %and3A_200 = arith.andi %ne3A_196, %ne3A_199 : i1
        %sub3A_201 = arith.constant 1 : i32
        %sub3A_202 = arith.subi %div3A_181, %sub3A_201 : i32
        %select_n3A_203 = arith.select %and3A_200, %sub3A_202, %div3A_181 : i32
        %mul3A_204 = arith.constant 16 : i32
        %mul3A_205 = arith.muli %select_n3A_203, %mul3A_204 : i32
        %get3A_206 = arith.index_cast %mul3A_205 : i32 to index
        %get3A_207 = tpu.vector_load %arg11[%get3A_206] {strides = array<i32>} : memref<272xi32, #tpu.memory_space<vmem>>, vector<16xi32>,
        %iota3A_208 = tpu.iota {dimensions = array<i32: 0>} : vector<16xi32>
        %jit3A_209 = arith.constant 16 : i32
        %eq3A_210 = arith.constant 0 : i32
        %eq3A_211 = arith.cmpi eq, %jit3A_209, %eq3A_210 : i32
        %jit3A_212 = arith.constant 1 : i32
        %select_n3A_213 = arith.select %eq3A_211, %jit3A_212, %jit3A_209 : i32
        %rem3A_214 = arith.remsi %while3A_127, %select_n3A_213 : i32
        %ne3A_215 = arith.constant 0 : i32
        %ne3A_216 = arith.cmpi ne, %rem3A_214, %ne3A_215 : i32
        %lt3A_217 = arith.constant 0 : i32
        %lt3A_218 = arith.cmpi slt, %rem3A_214, %lt3A_217 : i32
        %lt3A_219 = arith.constant 0 : i32
        %lt3A_220 = arith.cmpi slt, %select_n3A_213, %lt3A_219 : i32
        %ne3A_221 = arith.xori %lt3A_218, %lt3A_220 : i1
        %and3A_222 = arith.andi %ne3A_221, %ne3A_216 : i1
        %add3A_223 = arith.addi %rem3A_214, %select_n3A_213 : i32
        %select_n3A_224 = arith.select %and3A_222, %add3A_223, %rem3A_214 : i32
        %eq3A_225 = vector.broadcast %select_n3A_224 : i32 to vector<16xi32>
        %eq3A_226 = arith.cmpi eq, %iota3A_208, %eq3A_225 : vector<16xi32>
        %jit3A_227 = arith.constant -2147483647 : i32
        %broadcast_in_dim3A_228 = vector.broadcast %jit3A_227 : i32 to vector<16xi32>
        %select_n3A_229 = arith.select %eq3A_226, %get3A_207, %broadcast_in_dim3A_228 : vector<16xi1>, vector<16xi32>
        %reduce_max3A_230 = arith.constant true
        %reduce_max3A_231 = vector.broadcast %reduce_max3A_230 : i1 to vector<16xi1>
        %reduce_max3A_232 = arith.constant -2147483648 : i32
        %reduce_max3A_233 = vector.broadcast %reduce_max3A_232 : i32 to vector<16xi32>
        %reduce_max3A_234 = arith.xori %select_n3A_229, %reduce_max3A_233 : vector<16xi32>
        %reduce_max3A_235 = tpu.scan <max>, %reduce_max3A_234 masked %reduce_max3A_231 : vector<16xi32>, vector<16xi1> -> vector<16xi32>
        %reduce_max3A_236 = arith.xori %reduce_max3A_235, %reduce_max3A_233 : vector<16xi32>
        %reduce_max3A_237 = vector.extract %reduce_max3A_236[15] : i32 from vector<16xi32>
        %broadcast_in_dim3A_238 = arith.constant 0 : i32
        %broadcast_in_dim3A_239 = vector.broadcast %broadcast_in_dim3A_238 : i32 to vector<16xi32>
        %while3A_240 = arith.constant 0 : i32
        %while3A_241 = arith.subi %select_n3A_93, %while3A_240 : i32
        %while3A_242 = arith.addi %while3A_240, %while3A_241 : i32
        %while3A_243 = arith.constant 1 : i32
        %while3A_244 = arith.divsi %while3A_241, %while3A_243 : i32
        %while3A_245 = arith.muli %while3A_244, %while3A_243 : i32
        %while3A_246 = arith.addi %while3A_240, %while3A_245 : i32
        %while3A_247 = arith.constant 1 : i32
        %while3A_248 = scf.for %while3A_265 = %while3A_240 to %while3A_246 step %while3A_247 iter_args(%while3A_266 = %broadcast_in_dim3A_239) -> (vector<16xi32>)  : i32 {
          %mul3A_267 = arith.constant 16 : i32
          %mul3A_268 = arith.muli %while3A_265, %mul3A_267 : i32
          %get3A_269 = arith.index_cast %mul3A_268 : i32 to index
          %get3A_270 = tpu.vector_load %arg10[%get3A_269] {strides = array<i32>} : memref<272xf32, #tpu.memory_space<vmem>>, vector<16xf32>,
          %mul3A_271 = arith.constant 16 : i32
          %mul3A_272 = arith.muli %while3A_265, %mul3A_271 : i32
          %get3A_273 = arith.index_cast %mul3A_272 : i32 to index
          %get3A_274 = tpu.vector_load %arg11[%get3A_273] {strides = array<i32>} : memref<272xi32, #tpu.memory_space<vmem>>, vector<16xi32>,
          %gt3A = vector.broadcast %reduce_max3A_179 : f32 to vector<16xf32>
          %gt3A_275 = arith.cmpf ogt, %get3A_270, %gt3A : vector<16xf32>
          %eq3A_276 = vector.broadcast %reduce_max3A_179 : f32 to vector<16xf32>
          %eq3A_277 = arith.cmpf oeq, %get3A_270, %eq3A_276 : vector<16xf32>
          %lt3A_278 = vector.broadcast %reduce_max3A_237 : i32 to vector<16xi32>
          %lt3A_279 = arith.cmpi slt, %get3A_274, %lt3A_278 : vector<16xi32>
          %and3A_280 = arith.andi %eq3A_277, %lt3A_279 : vector<16xi1>
          %or3A = arith.ori %gt3A_275, %and3A_280 : vector<16xi1>
          %all_reduce_population_count3A = tpu.all_reduce %or3A {dim = 0 : i64, kind = #tpu.reduction_kind<sum>} : vector<16xi1> -> vector<16xi32>
          %add3A_281 = arith.addi %while3A_266, %all_reduce_population_count3A : vector<16xi32>
          scf.yield %add3A_281 : vector<16xi32>
        }
        %while3A_249 = arith.constant 1 : i32
        %while3A_250 = scf.for %while3A_265 = %while3A_246 to %while3A_242 step %while3A_249 iter_args(%while3A_266 = %while3A_248) -> (vector<16xi32>)  : i32 {
          %mul3A_267 = arith.constant 16 : i32
          %mul3A_268 = arith.muli %while3A_265, %mul3A_267 : i32
          %get3A_269 = arith.index_cast %mul3A_268 : i32 to index
          %get3A_270 = tpu.vector_load %arg10[%get3A_269] {strides = array<i32>} : memref<272xf32, #tpu.memory_space<vmem>>, vector<16xf32>,
          %mul3A_271 = arith.constant 16 : i32
          %mul3A_272 = arith.muli %while3A_265, %mul3A_271 : i32
          %get3A_273 = arith.index_cast %mul3A_272 : i32 to index
          %get3A_274 = tpu.vector_load %arg11[%get3A_273] {strides = array<i32>} : memref<272xi32, #tpu.memory_space<vmem>>, vector<16xi32>,
          %gt3A = vector.broadcast %reduce_max3A_179 : f32 to vector<16xf32>
          %gt3A_275 = arith.cmpf ogt, %get3A_270, %gt3A : vector<16xf32>
          %eq3A_276 = vector.broadcast %reduce_max3A_179 : f32 to vector<16xf32>
          %eq3A_277 = arith.cmpf oeq, %get3A_270, %eq3A_276 : vector<16xf32>
          %lt3A_278 = vector.broadcast %reduce_max3A_237 : i32 to vector<16xi32>
          %lt3A_279 = arith.cmpi slt, %get3A_274, %lt3A_278 : vector<16xi32>
          %and3A_280 = arith.andi %eq3A_277, %lt3A_279 : vector<16xi1>
          %or3A = arith.ori %gt3A_275, %and3A_280 : vector<16xi1>
          %all_reduce_population_count3A = tpu.all_reduce %or3A {dim = 0 : i64, kind = #tpu.reduction_kind<sum>} : vector<16xi1> -> vector<16xi32>
          %add3A_281 = arith.addi %while3A_266, %all_reduce_population_count3A : vector<16xi32>
          scf.yield %add3A_281 : vector<16xi32>
        }
        %reduce_max3A_251 = arith.constant true
        %reduce_max3A_252 = vector.broadcast %reduce_max3A_251 : i1 to vector<16xi1>
        %reduce_max3A_253 = arith.constant -2147483648 : i32
        %reduce_max3A_254 = vector.broadcast %reduce_max3A_253 : i32 to vector<16xi32>
        %reduce_max3A_255 = arith.xori %while3A_250, %reduce_max3A_254 : vector<16xi32>
        %reduce_max3A_256 = tpu.scan <max>, %reduce_max3A_255 masked %reduce_max3A_252 : vector<16xi32>, vector<16xi1> -> vector<16xi32>
        %reduce_max3A_257 = arith.xori %reduce_max3A_256, %reduce_max3A_254 : vector<16xi32>
        %reduce_max3A_258 = vector.extract %reduce_max3A_257[15] : i32 from vector<16xi32>
        %lt3A_259 = arith.constant 100 : i32
        %lt3A_260 = arith.cmpi slt, %reduce_max3A_258, %lt3A_259 : i32
        %convert_element_type3A_261 = arith.extui %lt3A_260 : i1 to i32
        %cond3A_262 = arith.constant 0 : i32
        %cond3A_263 = arith.cmpi ne, %convert_element_type3A_261, %cond3A_262 : i32
        scf.if %cond3A_263 {
          %eq3A_265 = arith.constant 0 : i32
          %eq3A_266 = vector.broadcast %eq3A_265 : i32 to vector<16xi32>
          %eq3A_267 = arith.cmpi eq, %iota3A, %eq3A_266 : vector<16xi32>
          %mul3A_268 = arith.constant 6 : i32
          %mul3A_269 = arith.muli %reduce_max3A_258, %mul3A_268 : i32
          %add3A_270 = arith.constant 4 : i32
          %add3A_271 = arith.addi %mul3A_269, %add3A_270 : i32
          %broadcast_in_dim3A_272 = vector.broadcast %add3A_271 : i32 to vector<16xi32>
          %broadcast_in_dim3A_273 = vector.broadcast %reduce_max3A_179 : f32 to vector<16xf32>
          tpu.vector_store_idx %arg14[%broadcast_in_dim3A_272], %broadcast_in_dim3A_273 masked %eq3A_267 : memref<640xf32, #tpu.memory_space<vmem>>[vector<16xi32>], vector<16xf32>, vector<16xi1>
          %mul3A_274 = arith.constant 6 : i32
          %mul3A_275 = arith.muli %reduce_max3A_258, %mul3A_274 : i32
          %add3A_276 = arith.constant 5 : i32
          %add3A_277 = arith.addi %mul3A_275, %add3A_276 : i32
          %broadcast_in_dim3A_278 = vector.broadcast %add3A_277 : i32 to vector<16xi32>
          %jit3A_279 = arith.constant 80 : i32
          %eq3A_280 = arith.constant 0 : i32
          %eq3A_281 = arith.cmpi eq, %jit3A_279, %eq3A_280 : i32
          %jit3A_282 = arith.constant 1 : i32
          %select_n3A_283 = arith.select %eq3A_281, %jit3A_282, %jit3A_279 : i32
          %rem3A_284 = arith.remsi %reduce_max3A_237, %select_n3A_283 : i32
          %ne3A_285 = arith.constant 0 : i32
          %ne3A_286 = arith.cmpi ne, %rem3A_284, %ne3A_285 : i32
          %lt3A_287 = arith.constant 0 : i32
          %lt3A_288 = arith.cmpi slt, %rem3A_284, %lt3A_287 : i32
          %lt3A_289 = arith.constant 0 : i32
          %lt3A_290 = arith.cmpi slt, %select_n3A_283, %lt3A_289 : i32
          %ne3A_291 = arith.xori %lt3A_288, %lt3A_290 : i1
          %and3A_292 = arith.andi %ne3A_291, %ne3A_286 : i1
          %add3A_293 = arith.addi %rem3A_284, %select_n3A_283 : i32
          %select_n3A_294 = arith.select %and3A_292, %add3A_293, %rem3A_284 : i32
          %convert_element_type3A_295 = arith.sitofp %select_n3A_294 : i32 to f32
          %broadcast_in_dim3A_296 = vector.broadcast %convert_element_type3A_295 : f32 to vector<16xf32>
          tpu.vector_store_idx %arg14[%broadcast_in_dim3A_278], %broadcast_in_dim3A_296 masked %eq3A_267 : memref<640xf32, #tpu.memory_space<vmem>>[vector<16xi32>], vector<16xf32>, vector<16xi1>
          %broadcast_in_dim3A_297 = vector.broadcast %reduce_max3A_258 : i32 to vector<16xi32>
          %jit3A_298 = arith.constant 80 : i32
          %div3A_299 = arith.divsi %reduce_max3A_237, %jit3A_298 : i32
          %sign3A_300 = arith.constant 0 : i32
          %sign3A_301 = arith.cmpi sgt, %reduce_max3A_237, %sign3A_300 : i32
          %sign3A_302 = arith.extui %sign3A_301 : i1 to i32
          %sign3A_303 = arith.constant 0 : i32
          %sign3A_304 = arith.cmpi slt, %reduce_max3A_237, %sign3A_303 : i32
          %sign3A_305 = arith.extui %sign3A_304 : i1 to i32
          %sign3A_306 = arith.subi %sign3A_302, %sign3A_305 : i32
          %sign3A_307 = arith.constant 0 : i32
          %sign3A_308 = arith.cmpi sgt, %jit3A_298, %sign3A_307 : i32
          %sign3A_309 = arith.extui %sign3A_308 : i1 to i32
          %sign3A_310 = arith.constant 0 : i32
          %sign3A_311 = arith.cmpi slt, %jit3A_298, %sign3A_310 : i32
          %sign3A_312 = arith.extui %sign3A_311 : i1 to i32
          %sign3A_313 = arith.subi %sign3A_309, %sign3A_312 : i32
          %ne3A_314 = arith.cmpi ne, %sign3A_306, %sign3A_313 : i32
          %rem3A_315 = arith.remsi %reduce_max3A_237, %jit3A_298 : i32
          %ne3A_316 = arith.constant 0 : i32
          %ne3A_317 = arith.cmpi ne, %rem3A_315, %ne3A_316 : i32
          %and3A_318 = arith.andi %ne3A_314, %ne3A_317 : i1
          %sub3A_319 = arith.constant 1 : i32
          %sub3A_320 = arith.subi %div3A_299, %sub3A_319 : i32
          %select_n3A_321 = arith.select %and3A_318, %sub3A_320, %div3A_299 : i32
          %broadcast_in_dim3A_322 = vector.broadcast %select_n3A_321 : i32 to vector<16xi32>
          tpu.vector_store_idx %arg12[%broadcast_in_dim3A_297], %broadcast_in_dim3A_322 masked %eq3A_267 : memref<112xi32, #tpu.memory_space<vmem>>[vector<16xi32>], vector<16xi32>, vector<16xi1>
          %jit3A_323 = arith.constant 80 : i32
          %div3A_324 = arith.divsi %reduce_max3A_237, %jit3A_323 : i32
          %sign3A_325 = arith.constant 0 : i32
          %sign3A_326 = arith.cmpi sgt, %reduce_max3A_237, %sign3A_325 : i32
          %sign3A_327 = arith.extui %sign3A_326 : i1 to i32
          %sign3A_328 = arith.constant 0 : i32
          %sign3A_329 = arith.cmpi slt, %reduce_max3A_237, %sign3A_328 : i32
          %sign3A_330 = arith.extui %sign3A_329 : i1 to i32
          %sign3A_331 = arith.subi %sign3A_327, %sign3A_330 : i32
          %sign3A_332 = arith.constant 0 : i32
          %sign3A_333 = arith.cmpi sgt, %jit3A_323, %sign3A_332 : i32
          %sign3A_334 = arith.extui %sign3A_333 : i1 to i32
          %sign3A_335 = arith.constant 0 : i32
          %sign3A_336 = arith.cmpi slt, %jit3A_323, %sign3A_335 : i32
          %sign3A_337 = arith.extui %sign3A_336 : i1 to i32
          %sign3A_338 = arith.subi %sign3A_334, %sign3A_337 : i32
          %ne3A_339 = arith.cmpi ne, %sign3A_331, %sign3A_338 : i32
          %rem3A_340 = arith.remsi %reduce_max3A_237, %jit3A_323 : i32
          %ne3A_341 = arith.constant 0 : i32
          %ne3A_342 = arith.cmpi ne, %rem3A_340, %ne3A_341 : i32
          %and3A_343 = arith.andi %ne3A_339, %ne3A_342 : i1
          %sub3A_344 = arith.constant 1 : i32
          %sub3A_345 = arith.subi %div3A_324, %sub3A_344 : i32
          %select_n3A_346 = arith.select %and3A_343, %sub3A_345, %div3A_324 : i32
          %jit3A_347 = arith.constant 32 : i32
          %div3A_348 = arith.divsi %select_n3A_346, %jit3A_347 : i32
          %sign3A_349 = arith.constant 0 : i32
          %sign3A_350 = arith.cmpi sgt, %select_n3A_346, %sign3A_349 : i32
          %sign3A_351 = arith.extui %sign3A_350 : i1 to i32
          %sign3A_352 = arith.constant 0 : i32
          %sign3A_353 = arith.cmpi slt, %select_n3A_346, %sign3A_352 : i32
          %sign3A_354 = arith.extui %sign3A_353 : i1 to i32
          %sign3A_355 = arith.subi %sign3A_351, %sign3A_354 : i32
          %sign3A_356 = arith.constant 0 : i32
          %sign3A_357 = arith.cmpi sgt, %jit3A_347, %sign3A_356 : i32
          %sign3A_358 = arith.extui %sign3A_357 : i1 to i32
          %sign3A_359 = arith.constant 0 : i32
          %sign3A_360 = arith.cmpi slt, %jit3A_347, %sign3A_359 : i32
          %sign3A_361 = arith.extui %sign3A_360 : i1 to i32
          %sign3A_362 = arith.subi %sign3A_358, %sign3A_361 : i32
          %ne3A_363 = arith.cmpi ne, %sign3A_355, %sign3A_362 : i32
          %rem3A_364 = arith.remsi %select_n3A_346, %jit3A_347 : i32
          %ne3A_365 = arith.constant 0 : i32
          %ne3A_366 = arith.cmpi ne, %rem3A_364, %ne3A_365 : i32
          %and3A_367 = arith.andi %ne3A_363, %ne3A_366 : i1
          %sub3A_368 = arith.constant 1 : i32
          %sub3A_369 = arith.subi %div3A_348, %sub3A_368 : i32
          %select_n3A_370 = arith.select %and3A_367, %sub3A_369, %div3A_348 : i32
          %dma_start3A = arith.constant 0 : i32
          %dma_start3A_371 = tpu.memref_slice %arg13[%reduce_max3A_258, %dma_start3A] : memref<112x128xf32, #tpu.memory_space<vmem>> -> memref<1x128xf32, #tpu.memory_space<vmem>>
          %dma_start3A_372 = tpu.memref_squeeze %dma_start3A_371 : memref<1x128xf32, #tpu.memory_space<vmem>> -> memref<128xf32, #tpu.memory_space<vmem>>
          %dma_start3A_373 = arith.constant 0 : i32
          %dma_start3A_374 = tpu.memref_slice %arg3[%add3A, %select_n3A_370, %dma_start3A_373] : memref<16x512x128xf32, #tpu.memory_space<hbm>> -> memref<1x1x128xf32, #tpu.memory_space<hbm>>
          %dma_start3A_375 = tpu.memref_squeeze %dma_start3A_374 : memref<1x1x128xf32, #tpu.memory_space<hbm>> -> memref<128xf32, #tpu.memory_space<hbm>>
          %dma_start3A_376 = arith.constant 0 : i32
          %dma_start3A_377 = tpu.memref_slice %arg13[%reduce_max3A_258, %dma_start3A_376] : memref<112x128xf32, #tpu.memory_space<vmem>> -> memref<1x128xf32, #tpu.memory_space<vmem>>
          %dma_start3A_378 = tpu.memref_squeeze %dma_start3A_377 : memref<1x128xf32, #tpu.memory_space<vmem>> -> memref<128xf32, #tpu.memory_space<vmem>>
          %dma_start3A_379 = arith.constant 0 : i32
          %dma_start3A_380 = tpu.memref_slice %arg3[%add3A, %select_n3A_370, %dma_start3A_379] : memref<16x512x128xf32, #tpu.memory_space<hbm>> -> memref<1x1x128xf32, #tpu.memory_space<hbm>>
          %dma_start3A_381 = tpu.memref_squeeze %dma_start3A_380 : memref<1x1x128xf32, #tpu.memory_space<hbm>> -> memref<128xf32, #tpu.memory_space<hbm>>
          tpu.enqueue_dma source(%dma_start3A_381 : memref<128xf32, #tpu.memory_space<hbm>>) target(%dma_start3A_378 : memref<128xf32, #tpu.memory_space<vmem>>) target_semaphore(%arg16 : memref<!tpu.dma_semaphore, #tpu.memory_space<semaphore_mem>>)
        } else {
        }
        %while3A_264 = arith.constant 0 : i32
        scf.yield %while3A_264 : i32
      }
      %scan3A_106 = arith.constant 0 : i32
      %scan3A_107 = arith.constant 100 : i32
      %scan3A_108 = arith.constant 12 : i32
      %scan3A_109 = arith.addi %scan3A_107, %scan3A_108 : i32
      %scan3A_110 = arith.constant 1 : i32
      %scan3A_111 = scf.for %scan3A_127 = %scan3A_107 to %scan3A_109 step %scan3A_110 iter_args(%scan3A_128 = %scan3A_106) -> (i32)  : i32 {
        %dma_start3A = arith.constant 0 : i32
        %dma_start3A_129 = arith.constant 0 : i32
        %dma_start3A_130 = tpu.memref_slice %arg13[%scan3A_127, %dma_start3A_129] : memref<112x128xf32, #tpu.memory_space<vmem>> -> memref<1x128xf32, #tpu.memory_space<vmem>>
        %dma_start3A_131 = tpu.memref_squeeze %dma_start3A_130 : memref<1x128xf32, #tpu.memory_space<vmem>> -> memref<128xf32, #tpu.memory_space<vmem>>
        %dma_start3A_132 = arith.constant 0 : i32
        %dma_start3A_133 = tpu.memref_slice %arg3[%add3A, %dma_start3A, %dma_start3A_132] : memref<16x512x128xf32, #tpu.memory_space<hbm>> -> memref<1x1x128xf32, #tpu.memory_space<hbm>>
        %dma_start3A_134 = tpu.memref_squeeze %dma_start3A_133 : memref<1x1x128xf32, #tpu.memory_space<hbm>> -> memref<128xf32, #tpu.memory_space<hbm>>
        %dma_start3A_135 = arith.constant 0 : i32
        %dma_start3A_136 = tpu.memref_slice %arg13[%scan3A_127, %dma_start3A_135] : memref<112x128xf32, #tpu.memory_space<vmem>> -> memref<1x128xf32, #tpu.memory_space<vmem>>
        %dma_start3A_137 = tpu.memref_squeeze %dma_start3A_136 : memref<1x128xf32, #tpu.memory_space<vmem>> -> memref<128xf32, #tpu.memory_space<vmem>>
        %dma_start3A_138 = arith.constant 0 : i32
        %dma_start3A_139 = tpu.memref_slice %arg3[%add3A, %dma_start3A, %dma_start3A_138] : memref<16x512x128xf32, #tpu.memory_space<hbm>> -> memref<1x1x128xf32, #tpu.memory_space<hbm>>
        %dma_start3A_140 = tpu.memref_squeeze %dma_start3A_139 : memref<1x1x128xf32, #tpu.memory_space<hbm>> -> memref<128xf32, #tpu.memory_space<hbm>>
        tpu.enqueue_dma source(%dma_start3A_140 : memref<128xf32, #tpu.memory_space<hbm>>) target(%dma_start3A_137 : memref<128xf32, #tpu.memory_space<vmem>>) target_semaphore(%arg16 : memref<!tpu.dma_semaphore, #tpu.memory_space<semaphore_mem>>)
        %scan3A_141 = arith.constant 0 : i32
        scf.yield %scan3A_141 : i32
      }
      %scan3A_112 = arith.constant 12 : i32
      %scan3A_113 = arith.constant 0 : i32
      %scan3A_114 = arith.constant 0 : i32
      %scan3A_115 = arith.constant 112 : i32
      %scan3A_116 = arith.addi %scan3A_114, %scan3A_115 : i32
      %scan3A_117 = arith.constant 1 : i32
      %scan3A_118 = scf.for %scan3A_127 = %scan3A_114 to %scan3A_116 step %scan3A_117 iter_args(%scan3A_128 = %scan3A_113) -> (i32)  : i32 {
        %jit3A_129 = arith.constant 16 : i32
        %div3A_130 = arith.divsi %scan3A_127, %jit3A_129 : i32
        %sign3A_131 = arith.constant 0 : i32
        %sign3A_132 = arith.cmpi sgt, %scan3A_127, %sign3A_131 : i32
        %sign3A_133 = arith.extui %sign3A_132 : i1 to i32
        %sign3A_134 = arith.constant 0 : i32
        %sign3A_135 = arith.cmpi slt, %scan3A_127, %sign3A_134 : i32
        %sign3A_136 = arith.extui %sign3A_135 : i1 to i32
        %sign3A_137 = arith.subi %sign3A_133, %sign3A_136 : i32
        %sign3A_138 = arith.constant 0 : i32
        %sign3A_139 = arith.cmpi sgt, %jit3A_129, %sign3A_138 : i32
        %sign3A_140 = arith.extui %sign3A_139 : i1 to i32
        %sign3A_141 = arith.constant 0 : i32
        %sign3A_142 = arith.cmpi slt, %jit3A_129, %sign3A_141 : i32
        %sign3A_143 = arith.extui %sign3A_142 : i1 to i32
        %sign3A_144 = arith.subi %sign3A_140, %sign3A_143 : i32
        %ne3A_145 = arith.cmpi ne, %sign3A_137, %sign3A_144 : i32
        %rem3A_146 = arith.remsi %scan3A_127, %jit3A_129 : i32
        %ne3A_147 = arith.constant 0 : i32
        %ne3A_148 = arith.cmpi ne, %rem3A_146, %ne3A_147 : i32
        %and3A_149 = arith.andi %ne3A_145, %ne3A_148 : i1
        %sub3A_150 = arith.constant 1 : i32
        %sub3A_151 = arith.subi %div3A_130, %sub3A_150 : i32
        %select_n3A_152 = arith.select %and3A_149, %sub3A_151, %div3A_130 : i32
        %mul3A_153 = arith.constant 16 : i32
        %mul3A_154 = arith.muli %select_n3A_152, %mul3A_153 : i32
        %get3A = arith.index_cast %mul3A_154 : i32 to index
        %get3A_155 = tpu.vector_load %arg12[%get3A] {strides = array<i32>} : memref<112xi32, #tpu.memory_space<vmem>>, vector<16xi32>,
        %iota3A_156 = tpu.iota {dimensions = array<i32: 0>} : vector<16xi32>
        %jit3A_157 = arith.constant 16 : i32
        %eq3A = arith.constant 0 : i32
        %eq3A_158 = arith.cmpi eq, %jit3A_157, %eq3A : i32
        %jit3A_159 = arith.constant 1 : i32
        %select_n3A_160 = arith.select %eq3A_158, %jit3A_159, %jit3A_157 : i32
        %rem3A_161 = arith.remsi %scan3A_127, %select_n3A_160 : i32
        %ne3A_162 = arith.constant 0 : i32
        %ne3A_163 = arith.cmpi ne, %rem3A_161, %ne3A_162 : i32
        %lt3A_164 = arith.constant 0 : i32
        %lt3A_165 = arith.cmpi slt, %rem3A_161, %lt3A_164 : i32
        %lt3A_166 = arith.constant 0 : i32
        %lt3A_167 = arith.cmpi slt, %select_n3A_160, %lt3A_166 : i32
        %ne3A_168 = arith.xori %lt3A_165, %lt3A_167 : i1
        %and3A_169 = arith.andi %ne3A_168, %ne3A_163 : i1
        %add3A_170 = arith.addi %rem3A_161, %select_n3A_160 : i32
        %select_n3A_171 = arith.select %and3A_169, %add3A_170, %rem3A_161 : i32
        %eq3A_172 = vector.broadcast %select_n3A_171 : i32 to vector<16xi32>
        %eq3A_173 = arith.cmpi eq, %iota3A_156, %eq3A_172 : vector<16xi32>
        %jit3A_174 = arith.constant -2147483647 : i32
        %broadcast_in_dim3A_175 = vector.broadcast %jit3A_174 : i32 to vector<16xi32>
        %select_n3A_176 = arith.select %eq3A_173, %get3A_155, %broadcast_in_dim3A_175 : vector<16xi1>, vector<16xi32>
        %reduce_max3A = arith.constant true
        %reduce_max3A_177 = vector.broadcast %reduce_max3A : i1 to vector<16xi1>
        %reduce_max3A_178 = arith.constant -2147483648 : i32
        %reduce_max3A_179 = vector.broadcast %reduce_max3A_178 : i32 to vector<16xi32>
        %reduce_max3A_180 = arith.xori %select_n3A_176, %reduce_max3A_179 : vector<16xi32>
        %reduce_max3A_181 = tpu.scan <max>, %reduce_max3A_180 masked %reduce_max3A_177 : vector<16xi32>, vector<16xi1> -> vector<16xi32>
        %reduce_max3A_182 = arith.xori %reduce_max3A_181, %reduce_max3A_179 : vector<16xi32>
        %reduce_max3A_183 = vector.extract %reduce_max3A_182[15] : i32 from vector<16xi32>
        %jit3A_184 = arith.constant 32 : i32
        %div3A_185 = arith.divsi %reduce_max3A_183, %jit3A_184 : i32
        %sign3A_186 = arith.constant 0 : i32
        %sign3A_187 = arith.cmpi sgt, %reduce_max3A_183, %sign3A_186 : i32
        %sign3A_188 = arith.extui %sign3A_187 : i1 to i32
        %sign3A_189 = arith.constant 0 : i32
        %sign3A_190 = arith.cmpi slt, %reduce_max3A_183, %sign3A_189 : i32
        %sign3A_191 = arith.extui %sign3A_190 : i1 to i32
        %sign3A_192 = arith.subi %sign3A_188, %sign3A_191 : i32
        %sign3A_193 = arith.constant 0 : i32
        %sign3A_194 = arith.cmpi sgt, %jit3A_184, %sign3A_193 : i32
        %sign3A_195 = arith.extui %sign3A_194 : i1 to i32
        %sign3A_196 = arith.constant 0 : i32
        %sign3A_197 = arith.cmpi slt, %jit3A_184, %sign3A_196 : i32
        %sign3A_198 = arith.extui %sign3A_197 : i1 to i32
        %sign3A_199 = arith.subi %sign3A_195, %sign3A_198 : i32
        %ne3A_200 = arith.cmpi ne, %sign3A_192, %sign3A_199 : i32
        %rem3A_201 = arith.remsi %reduce_max3A_183, %jit3A_184 : i32
        %ne3A_202 = arith.constant 0 : i32
        %ne3A_203 = arith.cmpi ne, %rem3A_201, %ne3A_202 : i32
        %and3A_204 = arith.andi %ne3A_200, %ne3A_203 : i1
        %sub3A_205 = arith.constant 1 : i32
        %sub3A_206 = arith.subi %div3A_185, %sub3A_205 : i32
        %select_n3A_207 = arith.select %and3A_204, %sub3A_206, %div3A_185 : i32
        %dma_wait3A = arith.constant 0 : i32
        %dma_wait3A_208 = tpu.memref_slice %arg13[%scan3A_127, %dma_wait3A] : memref<112x128xf32, #tpu.memory_space<vmem>> -> memref<1x128xf32, #tpu.memory_space<vmem>>
        %dma_wait3A_209 = tpu.memref_squeeze %dma_wait3A_208 : memref<1x128xf32, #tpu.memory_space<vmem>> -> memref<128xf32, #tpu.memory_space<vmem>>
        %dma_wait3A_210 = arith.constant 0 : i32
        %dma_wait3A_211 = tpu.memref_slice %arg3[%add3A, %select_n3A_207, %dma_wait3A_210] : memref<16x512x128xf32, #tpu.memory_space<hbm>> -> memref<1x1x128xf32, #tpu.memory_space<hbm>>
        %dma_wait3A_212 = tpu.memref_squeeze %dma_wait3A_211 : memref<1x1x128xf32, #tpu.memory_space<hbm>> -> memref<128xf32, #tpu.memory_space<hbm>>
        %dma_wait3A_213 = arith.constant 0 : i32
        %dma_wait3A_214 = tpu.memref_slice %arg13[%scan3A_127, %dma_wait3A_213] : memref<112x128xf32, #tpu.memory_space<vmem>> -> memref<1x128xf32, #tpu.memory_space<vmem>>
        %dma_wait3A_215 = tpu.memref_squeeze %dma_wait3A_214 : memref<1x128xf32, #tpu.memory_space<vmem>> -> memref<128xf32, #tpu.memory_space<vmem>>
        %dma_wait3A_216 = arith.constant 0 : i32
        %dma_wait3A_217 = tpu.memref_slice %arg3[%add3A, %select_n3A_207, %dma_wait3A_216] : memref<16x512x128xf32, #tpu.memory_space<hbm>> -> memref<1x1x128xf32, #tpu.memory_space<hbm>>
        %dma_wait3A_218 = tpu.memref_squeeze %dma_wait3A_217 : memref<1x1x128xf32, #tpu.memory_space<hbm>> -> memref<128xf32, #tpu.memory_space<hbm>>
        tpu.wait_dma2 semaphore(%arg16 : memref<!tpu.dma_semaphore, #tpu.memory_space<semaphore_mem>>) src(%dma_wait3A_218 : memref<128xf32, #tpu.memory_space<hbm>>) dst(%dma_wait3A_215 : memref<128xf32, #tpu.memory_space<vmem>>)
        %scan3A_219 = arith.constant 0 : i32
        scf.yield %scan3A_219 : i32
      }
      %scan3A_119 = arith.constant 112 : i32
      %scan3A_120 = arith.constant 0 : i32
      %scan3A_121 = arith.constant 0 : i32
      %scan3A_122 = arith.constant 7 : i32
      %scan3A_123 = arith.addi %scan3A_121, %scan3A_122 : i32
      %scan3A_124 = arith.constant 1 : i32
      %scan3A_125 = scf.for %scan3A_127 = %scan3A_121 to %scan3A_123 step %scan3A_124 iter_args(%scan3A_128 = %scan3A_120) -> (i32)  : i32 {
        %mul3A_129 = arith.constant 16 : i32
        %mul3A_130 = arith.muli %scan3A_127, %mul3A_129 : i32
        %add3A_131 = vector.broadcast %mul3A_130 : i32 to vector<16xi32>
        %add3A_132 = arith.addi %iota3A, %add3A_131 : vector<16xi32>
        %lt3A_133 = arith.constant 100 : i32
        %lt3A_134 = vector.broadcast %lt3A_133 : i32 to vector<16xi32>
        %lt3A_135 = arith.cmpi slt, %add3A_132, %lt3A_134 : vector<16xi32>
        %mul3A_136 = arith.constant 16 : i32
        %mul3A_137 = arith.muli %scan3A_127, %mul3A_136 : i32
        %get3A = arith.index_cast %mul3A_137 : i32 to index
        %get3A_138 = tpu.vector_load %arg12[%get3A] {strides = array<i32>} : memref<112xi32, #tpu.memory_space<vmem>>, vector<16xi32>,
        %jit3A_139 = arith.constant 32 : i32
        %eq3A = arith.constant 0 : i32
        %eq3A_140 = arith.cmpi eq, %jit3A_139, %eq3A : i32
        %jit3A_141 = arith.constant 1 : i32
        %select_n3A_142 = arith.select %eq3A_140, %jit3A_141, %jit3A_139 : i32
        %rem3A_143 = vector.broadcast %select_n3A_142 : i32 to vector<16xi32>
        %rem3A_144 = arith.remsi %get3A_138, %rem3A_143 : vector<16xi32>
        %ne3A_145 = arith.constant 0 : i32
        %ne3A_146 = vector.broadcast %ne3A_145 : i32 to vector<16xi32>
        %ne3A_147 = arith.cmpi ne, %rem3A_144, %ne3A_146 : vector<16xi32>
        %lt3A_148 = arith.constant 0 : i32
        %lt3A_149 = vector.broadcast %lt3A_148 : i32 to vector<16xi32>
        %lt3A_150 = arith.cmpi slt, %rem3A_144, %lt3A_149 : vector<16xi32>
        %lt3A_151 = arith.constant 0 : i32
        %lt3A_152 = arith.cmpi slt, %select_n3A_142, %lt3A_151 : i32
        %ne3A_153 = vector.broadcast %lt3A_152 : i1 to vector<16xi1>
        %ne3A_154 = vector.broadcast %ne3A_153 : vector<16xi1> to vector<16xi1>
        %ne3A_155 = arith.xori %lt3A_150, %ne3A_154 : vector<16xi1>
        %and3A_156 = arith.andi %ne3A_155, %ne3A_147 : vector<16xi1>
        %add3A_157 = vector.broadcast %select_n3A_142 : i32 to vector<16xi32>
        %add3A_158 = arith.addi %rem3A_144, %add3A_157 : vector<16xi32>
        %select_n3A_159 = arith.select %and3A_156, %add3A_158, %rem3A_144 : vector<16xi1>, vector<16xi32>
        %mul3A_160 = arith.constant 4 : i32
        %mul3A_161 = vector.broadcast %mul3A_160 : i32 to vector<16xi32>
        %mul3A_162 = arith.muli %select_n3A_159, %mul3A_161 : vector<16xi32>
        %add3A_163 = arith.constant 0 : i32
        %add3A_164 = vector.broadcast %add3A_163 : i32 to vector<16xi32>
        %add3A_165 = arith.addi %mul3A_162, %add3A_164 : vector<16xi32>
        %gather3A = tpu.vector_load_idx %arg13[%add3A_132, %add3A_165] masked %lt3A_135 : memref<112x128xf32, #tpu.memory_space<vmem>>[vector<16xi32>, vector<16xi32>], vector<16xf32>, vector<16xi1>
        %mul3A_166 = arith.constant 4.000000e+00 : f32
        %mul3A_167 = vector.broadcast %mul3A_166 : f32 to vector<16xf32>
        %mul3A_168 = arith.mulf %gather3A, %mul3A_167 : vector<16xf32>
        %mul3A_169 = arith.constant 6 : i32
        %mul3A_170 = vector.broadcast %mul3A_169 : i32 to vector<16xi32>
        %mul3A_171 = arith.muli %add3A_132, %mul3A_170 : vector<16xi32>
        %add3A_172 = arith.constant 0 : i32
        %add3A_173 = vector.broadcast %add3A_172 : i32 to vector<16xi32>
        %add3A_174 = arith.addi %mul3A_171, %add3A_173 : vector<16xi32>
        tpu.vector_store_idx %arg14[%add3A_174], %mul3A_168 masked %lt3A_135 : memref<640xf32, #tpu.memory_space<vmem>>[vector<16xi32>], vector<16xf32>, vector<16xi1>
        %add3A_175 = arith.constant 1 : i32
        %add3A_176 = vector.broadcast %add3A_175 : i32 to vector<16xi32>
        %add3A_177 = arith.addi %mul3A_162, %add3A_176 : vector<16xi32>
        %gather3A_178 = tpu.vector_load_idx %arg13[%add3A_132, %add3A_177] masked %lt3A_135 : memref<112x128xf32, #tpu.memory_space<vmem>>[vector<16xi32>, vector<16xi32>], vector<16xf32>, vector<16xi1>
        %mul3A_179 = arith.constant 4.000000e+00 : f32
        %mul3A_180 = vector.broadcast %mul3A_179 : f32 to vector<16xf32>
        %mul3A_181 = arith.mulf %gather3A_178, %mul3A_180 : vector<16xf32>
        %mul3A_182 = arith.constant 6 : i32
        %mul3A_183 = vector.broadcast %mul3A_182 : i32 to vector<16xi32>
        %mul3A_184 = arith.muli %add3A_132, %mul3A_183 : vector<16xi32>
        %add3A_185 = arith.constant 1 : i32
        %add3A_186 = vector.broadcast %add3A_185 : i32 to vector<16xi32>
        %add3A_187 = arith.addi %mul3A_184, %add3A_186 : vector<16xi32>
        tpu.vector_store_idx %arg14[%add3A_187], %mul3A_181 masked %lt3A_135 : memref<640xf32, #tpu.memory_space<vmem>>[vector<16xi32>], vector<16xf32>, vector<16xi1>
        %add3A_188 = arith.constant 2 : i32
        %add3A_189 = vector.broadcast %add3A_188 : i32 to vector<16xi32>
        %add3A_190 = arith.addi %mul3A_162, %add3A_189 : vector<16xi32>
        %gather3A_191 = tpu.vector_load_idx %arg13[%add3A_132, %add3A_190] masked %lt3A_135 : memref<112x128xf32, #tpu.memory_space<vmem>>[vector<16xi32>, vector<16xi32>], vector<16xf32>, vector<16xi1>
        %mul3A_192 = arith.constant 4.000000e+00 : f32
        %mul3A_193 = vector.broadcast %mul3A_192 : f32 to vector<16xf32>
        %mul3A_194 = arith.mulf %gather3A_191, %mul3A_193 : vector<16xf32>
        %mul3A_195 = arith.constant 6 : i32
        %mul3A_196 = vector.broadcast %mul3A_195 : i32 to vector<16xi32>
        %mul3A_197 = arith.muli %add3A_132, %mul3A_196 : vector<16xi32>
        %add3A_198 = arith.constant 2 : i32
        %add3A_199 = vector.broadcast %add3A_198 : i32 to vector<16xi32>
        %add3A_200 = arith.addi %mul3A_197, %add3A_199 : vector<16xi32>
        tpu.vector_store_idx %arg14[%add3A_200], %mul3A_194 masked %lt3A_135 : memref<640xf32, #tpu.memory_space<vmem>>[vector<16xi32>], vector<16xf32>, vector<16xi1>
        %add3A_201 = arith.constant 3 : i32
        %add3A_202 = vector.broadcast %add3A_201 : i32 to vector<16xi32>
        %add3A_203 = arith.addi %mul3A_162, %add3A_202 : vector<16xi32>
        %gather3A_204 = tpu.vector_load_idx %arg13[%add3A_132, %add3A_203] masked %lt3A_135 : memref<112x128xf32, #tpu.memory_space<vmem>>[vector<16xi32>, vector<16xi32>], vector<16xf32>, vector<16xi1>
        %mul3A_205 = arith.constant 4.000000e+00 : f32
        %mul3A_206 = vector.broadcast %mul3A_205 : f32 to vector<16xf32>
        %mul3A_207 = arith.mulf %gather3A_204, %mul3A_206 : vector<16xf32>
        %mul3A_208 = arith.constant 6 : i32
        %mul3A_209 = vector.broadcast %mul3A_208 : i32 to vector<16xi32>
        %mul3A_210 = arith.muli %add3A_132, %mul3A_209 : vector<16xi32>
        %add3A_211 = arith.constant 3 : i32
        %add3A_212 = vector.broadcast %add3A_211 : i32 to vector<16xi32>
        %add3A_213 = arith.addi %mul3A_210, %add3A_212 : vector<16xi32>
        tpu.vector_store_idx %arg14[%add3A_213], %mul3A_207 masked %lt3A_135 : memref<640xf32, #tpu.memory_space<vmem>>[vector<16xi32>], vector<16xf32>, vector<16xi1>
        %scan3A_214 = arith.constant 0 : i32
        scf.yield %scan3A_214 : i32
      }
      %scan3A_126 = arith.constant 7 : i32
      "tpu.region"() ({
        %run_scoped3A = tpu.sem_alloc : memref<!tpu.dma_semaphore, #tpu.memory_space<semaphore_mem>>
        %dma_start3A = arith.constant 0 : i32
        %dma_start3A_127 = tpu.memref_slice %arg5[%add3A, %dma_start3A] : memref<16x640xf32, #tpu.memory_space<hbm>> -> memref<1x640xf32, #tpu.memory_space<hbm>>
        %dma_start3A_128 = tpu.memref_squeeze %dma_start3A_127 : memref<1x640xf32, #tpu.memory_space<hbm>> -> memref<640xf32, #tpu.memory_space<hbm>>
        %dma_start3A_129 = arith.constant 0 : i32
        %dma_start3A_130 = tpu.memref_slice %arg5[%add3A, %dma_start3A_129] : memref<16x640xf32, #tpu.memory_space<hbm>> -> memref<1x640xf32, #tpu.memory_space<hbm>>
        %dma_start3A_131 = tpu.memref_squeeze %dma_start3A_130 : memref<1x640xf32, #tpu.memory_space<hbm>> -> memref<640xf32, #tpu.memory_space<hbm>>
        tpu.enqueue_dma source(%arg14 : memref<640xf32, #tpu.memory_space<vmem>>) target(%dma_start3A_131 : memref<640xf32, #tpu.memory_space<hbm>>) target_semaphore(%run_scoped3A : memref<!tpu.dma_semaphore, #tpu.memory_space<semaphore_mem>>)
        %dma_wait3A = arith.constant 0 : i32
        %dma_wait3A_132 = tpu.memref_slice %arg5[%add3A, %dma_wait3A] : memref<16x640xf32, #tpu.memory_space<hbm>> -> memref<1x640xf32, #tpu.memory_space<hbm>>
        %dma_wait3A_133 = tpu.memref_squeeze %dma_wait3A_132 : memref<1x640xf32, #tpu.memory_space<hbm>> -> memref<640xf32, #tpu.memory_space<hbm>>
        %dma_wait3A_134 = arith.constant 0 : i32
        %dma_wait3A_135 = tpu.memref_slice %arg5[%add3A, %dma_wait3A_134] : memref<16x640xf32, #tpu.memory_space<hbm>> -> memref<1x640xf32, #tpu.memory_space<hbm>>
        %dma_wait3A_136 = tpu.memref_squeeze %dma_wait3A_135 : memref<1x640xf32, #tpu.memory_space<hbm>> -> memref<640xf32, #tpu.memory_space<hbm>>
        tpu.wait_dma2 semaphore(%run_scoped3A : memref<!tpu.dma_semaphore, #tpu.memory_space<semaphore_mem>>) src(%arg14 : memref<640xf32, #tpu.memory_space<vmem>>) dst(%dma_wait3A_136 : memref<640xf32, #tpu.memory_space<hbm>>)
        tpu.yield
      }) : () -> ()
    } else {
    }
    return
  }
}

module attributes {stable_mosaic.version = 14 : i64} {
  func.func @_pmax_body(%arg0: i32, %arg1: i32, %arg2: memref<1x128x128x80xf32, #tpu.memory_space<vmem>>, %arg3: memref<1x128x128xf32, #tpu.memory_space<vmem>>) attributes {dimension_semantics = [#tpu.dimension_semantics<arbitrary>, #tpu.dimension_semantics<arbitrary>], iteration_bounds = array<i64: 16, 1>, scalar_prefetch = 0 : i64, scratch_operands = 0 : i64, tpu.core_type = #tpu.core_type<tc>, window_params = [{transform_indices = @transform_0, window_bounds = array<i64: 1, 128, 128, 80>}, {transform_indices = @transform_1, window_bounds = array<i64: 1, 128, 128>}]} {
    %get3A = arith.constant 0 : index
    %get3A_0 = arith.constant 0 : index
    %get3A_1 = arith.constant 0 : index
    %get3A_2 = arith.constant 0 : index
    %get3A_3 = vector.load %arg2[%get3A, %get3A_0, %get3A_1, %get3A_2] : memref<1x128x128x80xf32, #tpu.memory_space<vmem>>, vector<1x128x128x80xf32>
    %reduce_max3A = arith.constant dense<0xFF800000> : vector<1x128x128xf32>
    %reduce_max3A_4 = vector.multi_reduction <maximumf>, %get3A_3, %reduce_max3A [3] : vector<1x128x128x80xf32> to vector<1x128x128xf32>
    %swap3A = arith.constant 0 : index
    %swap3A_5 = arith.constant 0 : index
    %swap3A_6 = arith.constant 0 : index
    %swap3A_7 = vector.load %arg3[%swap3A, %swap3A_5, %swap3A_6] : memref<1x128x128xf32, #tpu.memory_space<vmem>>, vector<1x128x128xf32>
    tpu.vector_store %arg3[%swap3A, %swap3A_5, %swap3A_6], %reduce_max3A_4 {strides = array<i32>} : memref<1x128x128xf32, #tpu.memory_space<vmem>>, vector<1x128x128xf32>,
    return
  }
  func.func @transform_0(%arg0: i32, %arg1: i32) -> (i32, i32, i32, i32) {
    %c0_i32 = arith.constant 0 : i32
    %c0_i32_0 = arith.constant 0 : i32
    %c0_i32_1 = arith.constant 0 : i32
    return %arg0, %arg1, %c0_i32, %c0_i32_0 : i32, i32, i32, i32
  }
  func.func @transform_1(%arg0: i32, %arg1: i32) -> (i32, i32, i32) {
    %c0_i32 = arith.constant 0 : i32
    %c0_i32_0 = arith.constant 0 : i32
    return %arg0, %arg1, %c0_i32 : i32, i32, i32
  }
}

</mosaic_0001>

<sc_bundles>
// kernel: kernel.4.cloned.1.call-start
scs
__scs_entry_jumppad:
0x0: {  	(pc) =	sbr.rel $0x88, $3  }
0x1: {  	(tag) =	ssettag $0x0;
	lr =	simm.s32 $0x1  }
0x2: {  	[smem:$0x3F9F] =	sst lr;
	_ =	strace $0xD0000000  }
0x3: {  	_ = 	snop  }
0x4: {  	_ = 	snop  }
0x5: {  	_ = 	snop  }
0x6: {  	_ = 	snop  }
0x7: {  	_ = 	snop  }
__scs_overlays_trampoline_lowered:
0x8: {  	[smem:$0x3FAE] =	sst s0  }
0x9: {  	[smem:$0x3FAF] =	sst s1  }
0xa: {  	[smem:$0x3FB0] =	sst s2  }
0xb: {  	[smem:$0x3FB1] =	sst s3  }
0xc: {  	[smem:$0x3FB2] =	sst s4  }
0xd: {  	[smem:$0x3FB3] =	sst s5  }
0xe: {  	[smem:$0x3FB4] =	sst s6  }
0xf: {  	[smem:$0x3FB5] =	sst s7  }
0x10: {  	[smem:$0x3FB6] =	sst s8  }
0x11: {  	[smem:$0x3FB7] =	sst s9;
	s0 =	simm.s32 @!p0 $0x0  }
0x12: {  	s1 =	sld [smem:$0x3F9D];
	s0 =	simm.s32 @p0 $0x1  }
0x13: {  	[smem:$0x3FB8] =	sst s0;
	s0 =	simm.s32 @!p1 $0x0  }
0x14: {  	s2 =	sld [smem:$0x3F9C];
	s0 =	simm.s32 @p1 $0x1  }
0x15: {  	[smem:$0x3FB9] =	sst s0;
	s0 =	simm.s32 @!p2 $0x0  }
0x16: {  	s3 =	sld [smem:$0x3FDB];
	s0 =	simm.s32 @p2 $0x1  }
0x17: {  	s4 =	simm.s32 $0x1BF5;
	[smem:$0x3FBB] =	sst s0  }
0x18: {  	s0 =	sld [smem:$0x3F9E];
	_ =	swait.ge [sflag:s4], $0x0  }
0x19: {  	s7 =	sld [smem:$0x3F9F]  }
0x1a: {  	s8 =	sadd.s32 $0xFFFFE003, lr  }
0x1b: {  	s9 =	sadd.s32 $0xFFFFFEF7, lr;
	s5 =	simm.s32 $0xFFFFFFFF;
	p2 =	slt.u32 s8, $0xFFFFF086  }
0x1c: {  	p1 =	slt.u32 s9, $0xF7A;
	s5 =	simm.s32 @!p2 $0x0  }
0x1d: {  	s5 =	simm.s32 @p1 $0x1;
	p0 =	seq.s32 s7, s2  }
0x1e: {  	s7 =	smul.u32 @!p0 $0xF7A, s2;
	p2 =	seq.s32 @!p0 s5, $0x0  }
0x1f: {  	s9 =	smul.u32 $0xF7A, s1;
	s8 =	simm.s32 @!p0 $0x1BF5;
	p2 =	por !p2, p0  }
0x20: {  	[sflag:s8] =	ssyncset.s32 @!p0 $0xFFFFF086;
	s6 =	sadd.s32 @!p0 s3, s7;
	s7 =	simm.s32 @!p0 $0x108  }
0x21: {  	s3 =	sadd.s32 s3, s9;
	s6 =	sadd.s32 @!p0 $0x88, s6;
	s7 =	simm.s32 @p2 $0x1082  }
0x22: {  	[simem:s7], [sflag:s8] =	dma.local @!p0 [hbm:s6], $0xF7A  }
0x23: {  	s9 =	sor.u32 $0xD0000000, s2;
	s6 =	simm.s32 $0x108;
	_ =	swait.ge @!p0 [sflag:s8], $0x0  }
0x24: {  	s3 =	sadd.s32 $0x88, s3;
	s6 =	simm.s32 @!p1 $0x1082;
	[sflag:s4] =	ssyncset.s32 $0xFFFFF086  }
0x25: {  	[simem:s6], [sflag:s4] =	dma.local [hbm:s3], $0xF7A  }
0x26: {  	[smem:$0x3F9F] =	sst s1;
	(tag) =	ssettag s2;
	_ =	strace s9  }
0x27: {  	s1 =	sld [smem:$0x3FAF]  }
0x28: {  	s2 =	sld [smem:$0x3FB0]  }
0x29: {  	s4 =	sld [smem:$0x3FB2]  }
0x2a: {  	p0 =	seq.s32 s5, $0x0;
	s5 =	sld [smem:$0x3FB3]  }
0x2b: {  	s6 =	sld [smem:$0x3FB4]  }
0x2c: {  	s7 =	sld [smem:$0x3FB5]  }
0x2d: {  	s3 =	simm.s32 $0x108;
	s8 =	sld [smem:$0x3FB6]  }
0x2e: {  	s3 =	simm.s32 @!p0 $0x1082;
	s9 =	sld [smem:$0x3FB7]  }
0x2f: {  	lr =	sadd.s32 s0, s3;
	s0 =	sld [smem:$0x3FAE]  }
0x30: {  	s3 =	sld [smem:$0x3FB1]  }
0x31: {  	[smem:$0x3FBA] =	sst s10  }
0x32: {  	s10 =	sld [smem:$0x3FB8];
	_ =	sdelay $0x3  }
0x33: {  	p0 =	seq.s32 s10, $0x1;
	s10 =	sld [smem:$0x3FBA];
	_ =	sdelay $0x3  }
0x34: {  	[smem:$0x3FBA] =	sst s10  }
0x35: {  	s10 =	sld [smem:$0x3FB9];
	_ =	sdelay $0x3  }
0x36: {  	p1 =	seq.s32 s10, $0x1;
	s10 =	sld [smem:$0x3FBA];
	_ =	sdelay $0x3  }
0x37: {  	[smem:$0x3FBA] =	sst s10  }
0x38: {  	s10 =	sld [smem:$0x3FBB]  }
0x39: {  	_ = 	snop;
	(pc) =	sbr.ind lr, $3  }
0x3a: {  	_ = 	snop  }
0x3b: {  	_ = 	snop  }
0x3c: {  	p2 =	seq.s32 s10, $0x1;
	s10 =	sld [smem:$0x3FBA]  }
0x3d: {  	_ =	shalt  }
0x3e: {  	_ =	shalt  }
0x3f: {  	_ =	shalt  }
0x40: {  	_ =	shalt  }
0x41: {  	_ =	shalt  }
0x42: {  	_ =	shalt  }
0x43: {  	_ =	shalt  }
0x44: {  	_ =	shalt  }
0x45: {  	_ =	shalt  }
0x46: {  	_ =	shalt  }
0x47: {  	_ =	shalt  }
0x48: {  	_ =	shalt  }
0x49: {  	_ =	shalt  }
0x4a: {  	_ =	shalt  }
0x4b: {  	_ =	shalt  }
0x4c: {  	_ =	shalt  }
0x4d: {  	_ =	shalt  }
0x4e: {  	_ =	shalt  }
0x4f: {  	_ =	shalt  }
0x50: {  	_ =	shalt  }
0x51: {  	_ =	shalt  }
0x52: {  	_ =	shalt  }
0x53: {  	_ =	shalt  }
0x54: {  	_ =	shalt  }
0x55: {  	_ =	shalt  }
0x56: {  	_ =	shalt  }
0x57: {  	_ =	shalt  }
0x58: {  	_ =	shalt  }
0x59: {  	_ =	shalt  }
0x5a: {  	_ =	shalt  }
0x5b: {  	_ =	shalt  }
0x5c: {  	_ =	shalt  }
0x5d: {  	_ =	shalt  }
0x5e: {  	_ =	shalt  }
0x5f: {  	_ =	shalt  }
0x60: {  	_ =	shalt  }
0x61: {  	_ =	shalt  }
0x62: {  	_ =	shalt  }
0x63: {  	_ =	shalt  }
0x64: {  	_ =	shalt  }
0x65: {  	_ =	shalt  }
0x66: {  	_ =	shalt  }
0x67: {  	_ =	shalt  }
0x68: {  	_ =	shalt  }
0x69: {  	_ =	shalt  }
0x6a: {  	_ =	shalt  }
0x6b: {  	_ =	shalt  }
0x6c: {  	_ =	shalt  }
0x6d: {  	_ =	shalt  }
0x6e: {  	_ =	shalt  }
0x6f: {  	_ =	shalt  }
0x70: {  	_ =	shalt  }
0x71: {  	_ =	shalt  }
0x72: {  	_ =	shalt  }
0x73: {  	_ =	shalt  }
0x74: {  	_ =	shalt  }
0x75: {  	_ =	shalt  }
0x76: {  	_ =	shalt  }
0x77: {  	_ =	shalt  }
0x78: {  	_ =	shalt  }
0x79: {  	_ =	shalt  }
0x7a: {  	_ =	shalt  }
0x7b: {  	_ =	shalt  }
0x7c: {  	_ =	shalt  }
0x7d: {  	_ =	shalt  }
0x7e: {  	_ =	shalt  }
0x7f: {  	_ =	shalt  }
0x80: {  	_ =	shalt  }
0x81: {  	_ =	shalt  }
0x82: {  	_ =	shalt  }
0x83: {  	_ =	shalt  }
0x84: {  	_ =	shalt  }
0x85: {  	_ =	shalt  }
0x86: {  	_ =	shalt  }
0x87: {  	_ =	shalt  }
.Lfunc_end0:
.L_simem_size_0:
called_computation_lowered:
.L_overlay_start_0:
0x88: {  	s2 =	sld [smem:$0x3FD9]  }
0x89: {  	s3 =	sld [smem:$0x3FFE];
	_ =	sdelay $0x1  }
0x8a: {  	s1 =	srdreg.scid  }
0x8b: {  	s0 =	sand.u32 $0x1, s1  }
0x8c: {  	s17 =	sshll.u32 s0, $0xA;
	s2 =	sadd.s32 s3, s2  }
0x8d: {  	s2 =	sadd.s32 s2, s17  }
0x8e: {  	[smem:$0x3FC6] =	sst s2  }
0x8f: {  	_ = 	snop  }
0x90: {  	s2 =	sld [smem:$0x3FD0];
	(tm) =	ssettm $0x1  }
0x91: {  	s18 =	sld [smem:$0x3FFB];
	_ =	sdelay $0x3  }
0x92: {  	_ =	strace s18  }
0x93: {  	s3 =	sld [smem:$0x3FFC];
	_ =	sdelay $0x3  }
0x94: {  	_ =	strace s3  }
0x95: {  	s3 =	sld [smem:$0x3FFD];
	_ =	sdelay $0x3  }
0x96: {  	_ =	strace s3  }
0x97: {  	_ =	strace $0x8FFFFFFF  }
0x98: {  	s19 =	sld [smem:$0x3FDB];
	_ =	sdelay $0x1  }
0x99: {  	s4 =	simm.s32 $_scs_section_size  }
0x9a: {  	s5 =	simm.s32 $_size__tile_overlayer_lowered;
	s6 =	simm.s32 $_tile_overlayer_lowered  }
0x9b: {  	s22 =	simm.s32 $0x1BFF;
	s21 =	sshll.u32 s6, $0x1;
	s3 =	sadd.s32 s4, s19  }
0x9c: {  	s7 =	simm.s32 $0x0;
	s20 =	sshll.u32 s5, $0x1;
	s5 =	sadd.s32 s21, s3  }
0x9d: {  	[timem:s7], [sflag:s22] =	dma.local [hbm:s5], s20  }
0x9e: {  	_ =	swait.ge [sflag:s22], s20  }
0x9f: {  	s4 =	ssub.s32 $0x0, s20;
	[sflag:s22] =	ssyncset.done $0x0  }
0xa0: {  	[sflag:s22] =	ssyncadd.s32 s4;
	_ =	sdelay $0x1  }
0xa1: {  	s23 =	simm.s32 $0x1B8B  }
0xa2: {  	_ =	swait.ge [sflag:s23], $0x1  }
0xa3: {  	[sflag:s23] =	ssyncset.done $0x0  }
0xa4: {  	s25 =	simm.s32 $0x1B8E;
	s24 =	sld [smem:$0x3FFE];
	[sflag:s23] =	ssyncadd.s32 $0xFFFFFFFF  }
0xa5: {  	s26 =	simm.s32 $execute0_lowered;
	[smem:$0x3FD2] =	sst s25  }
0xa6: {  	s5 =	sshll.u32 s26, $0x1;
	_ =	strace $0x80000046;
	[dreg:$0x1] =	wrdreg $0xFFFFFFFF  }
0xa7: {  	s28 =	simm.s32 $_size_execute0_lowered;
	s3 =	sadd.s32 s3, s5;
	[dreg:$0x0] =	wrdreg $0x0  }
0xa8: {  	s5 =	sshll.u32 s28, $0x1;
	[dreg:$0x2] =	wrdreg s3  }
0xa9: {  	[dreg:$0x3] =	wrdreg s5  }
0xaa: {  	[dreg:$0x4] =	wrdreg $0xC0  }
0xab: {  	_ =	task [dreg:s7], $0x5FFFF  }
0xac: {  	[dreg:$0x1] =	wrdreg $0xFFFFFFFF  }
0xad: {  	[dreg:$0x0] =	wrdreg $0x60  }
0xae: {  	[dreg:$0x2] =	wrdreg s24  }
0xaf: {  	[dreg:$0x3] =	wrdreg s2  }
0xb0: {  	[dreg:$0x4] =	wrdreg $0x9  }
0xb1: {  	_ =	task.clear_ibuf [dreg:s7], $0x5FFFF;
	_ =	strace $0x90000046  }
0xb2: {  	s29 =	simm.s32 $0x9;
	_ =	strace $0x80000048  }
0xb3: {  	_ =	swait.ge [sflag:s29], $0x1  }
0xb4: {  	[sflag:s29] =	ssyncadd.s32 $0xFFFFFFFF  }
0xb5: {  	_ =	strace $0x90000048  }
0xb6: {  	_ =	sfence  }
0xb7: {  	s30 =	sld [smem:$0x0];
	_ =	sdelay $0x2  }
0xb8: {  	s31 =	sshll.u32 s1, $0xD;
	s1 =	sshrl.u32 s1, $0x2  }
0xb9: {  	s3 =	sand.u32 $0x4000, s31;
	s1 =	sadd.s32 s1, s30  }
0xba: {  	s0 =	sor.u32 s3, s0;
	s1 =	sshll.u32 s1, $0x11  }
0xbb: {  	s0 =	sor.u32 s1, s0  }
0xbc: {  	s0 =	sadd.s32 $0x8F2B, s0  }
0xbd: {  	[sflag:s0] =	ssyncadd.remote.s32 $0x1  }
0xbe: {  	_ =	sfence.sel $0xFFFF  }
0xbf: {  	[dreg:$0x0] =	wrdreg $0xFFFFFFFF;
	(pc) =	sbr.abs _section_cstart, $3  }
0xc0: {  	[dreg:$0x1] =	wrdreg $0xFFFFFFFF  }
0xc1: {  	_ =	task.clear_ibuf [dreg:s7], $0x2FFFF;
	_ =	strace $0x9FFFFFFF  }
0xc2: {  	(tm) =	ssettm $0x7FFFFFFF  }
0xc3: {  	_ =	shalt  }
tec
execute0_lowered:
.L_overlay_start_1:
0x0: {  	(tag) =	ssettag $0x1  }
0x1: {  	s3 =	stileid.u32  }
0x2: {  	p0 =	sgt.u32 s3, $0x7  }
.Ltmp0:
0x3: {  	_ = 	snop;
	(pc) =	sbr.rel @p0 .LBB2_33-.Ltmp0, $4  }
0x4: {  	_ = 	snop  }
0x5: {  	s1 =	rddreg [dreg:$0x0];
	s2 =	simm.s32 $0x0  }
0x6: {  	[smem:$0x7FF] =	sst s2  }
0x7: {  	s0 =	rddreg [dreg:$0x1];
	_ =	strace $0x80000047  }
0x8: {  	s3 =	srdreg.scid;
	s4 =	sadd.s32 $0x100600, s1  }
0x9: {  	s25 =	sadd.s32 $0x600, s1;
	s10 =	stileid.u32;
	s24 =	simm.s32 $0x2  }
0xa: {  	s29 =	simm.s32 $0x400;
	s30 =	simm.s32 $0x0;
	s7 =	sand.u32 $0x1, s3  }
0xb: {  	s3 =	sadd.s32 $0x120600, s1;
	s5 =	sshll.u32 s7, $0x3;
	s8 =	smul.u32 $0x1400, s7  }
0xc: {  	s26 =	ssub.s32 $0x2, s7;
	s9 =	sadd.s32 s10, s5;
	s10 =	sshll.u32 s10, $0x7  }
0xd: {  	s28 =	sshrl.u32 s26, $0x1;
	s5 =	sshll.u32 s9, $0x15;
	s6 =	sshll.u32 s9, $0x10  }
0xe: {  	s11 =	sshll.u32 s9, $0xD;
	s8 =	sadd.s32 s10, s8;
	s31 =	ssub.s32 s26, s28  }
0xf: {  	s9 =	sshll.u32 s9, $0xB;
	s26 =	simm.s32 $0x10100;
	s7 =	sadd.s32 s4, s11  }
0x10: {  	s8 =	sshrl.u32 s8, $0x3;
	s9 =	sadd.s32 s25, s9;
	s10 =	smax.u32 s31, $0x1  }
0x11: {  	v0 =	vlaneseq.u32;
	v1 =	vimm.f32 $-1.000000000e+00;
	v2 =	vimm.s32 $0x0;
	s11 =	simm.s32 $0x3;
	s25 =	simm.s32 $0xC900;
	s8 =	sadd.s32 s0, s8  }
.LBB2_2:
0x12: {  	s0 =	simm.s32 $0x0  }
0x13: {  	[tilespmem:s0], [sflag:$0x3] =	stream.linear.gather [hbm4b:s9+s0], $0x4000, $0x38;
	[tilespmem:$0x10380] =	vst v63  }
0x14: {  	s1 =	sand.u32 $0xE00, s0;
	_ =	swait.ge [sflag:s11], $0x4000  }
0x15: {  	s12 =	sand.u32 $0x70, s0;
	s1 =	sshrl.u32 s1, $0x2;
	[sflag:s11] =	ssyncset.done $0x0  }
0x16: {  	s1 =	sor.u32 s12, s1;
	[sflag:s11] =	ssyncadd.s32 $0xFFFFC000  }
0x17: {  	v3 =	vld [tilespmem:s1+$0x400]  }
0x18: {  	v4 =	vld [tilespmem:s1+$0x0]  }
0x19: {  	v5 =	vld [tilespmem:s1+$0x800]  }
0x1a: {  	v6 =	vld [tilespmem:s1+$0xC00]  }
0x1b: {  	v7 =	vld [tilespmem:s1+$0x1000]  }
0x1c: {  	v8 =	vld [tilespmem:s1+$0x1400]  }
0x1d: {  	v3 =	vmax.f32 v4, v3;
	v4 =	vld [tilespmem:s1+$0x1800]  }
0x1e: {  	v3 =	vmax.f32 v3, v5;
	v5 =	vld [tilespmem:s1+$0x1C00]  }
0x1f: {  	v58 =	vld [tilespmem:s1+$0x2000];
	v3 =	vmax.f32 v3, v6  }
0x20: {  	v59 =	vld [tilespmem:s1+$0x2400];
	v3 =	vmax.f32 v3, v7  }
0x21: {  	v60 =	vld [tilespmem:s1+$0x2800];
	v3 =	vmax.f32 v3, v8  }
0x22: {  	v3 =	vmax.f32 v3, v4;
	v4 =	vld [tilespmem:s1+$0x2C00]  }
0x23: {  	v3 =	vmax.f32 v3, v5;
	v5 =	vld [tilespmem:s1+$0x3000]  }
0x24: {  	v61 =	vld [tilespmem:s1+$0x3400];
	v3 =	vmax.f32 v3, v58  }
0x25: {  	v62 =	vld [tilespmem:s1+$0x3800];
	v3 =	vmax.f32 v3, v59  }
0x26: {  	v63 =	vld [tilespmem:s1+$0x3C00];
	v3 =	vmax.f32 v3, v60  }
0x27: {  	v3 =	vmax.f32 v3, v4  }
0x28: {  	v3 =	vmax.f32 v3, v5  }
0x29: {  	s1 =	simm.s32 $0x40;
	v3 =	vmax.f32 v3, v61  }
0x2a: {  	s14 =	simm.s32 $0x0;
	s12 =	simm.s32 $0x10;
	s13 =	sand.u32 $0xE00, s1;
	v3 =	vmax.f32 v3, v62  }
0x2b: {  	s15 =	sand.u32 $0x70, s12;
	s16 =	sshrl.u32 s13, $0x2;
	s13 =	simm.s32 $0x80;
	v3 =	vmax.f32 v3, v63  }
.LBB2_3:
0x2c: {  	p0 =	sne.s32 s13, $0xFC0;
	s15 =	sor.u32 s15, s16;
	[tilespmem:s14+$0x4000] =	vst v3;
	s14 =	smov.u32 s1  }
0x2d: {  	s1 =	smov.u32 s13;
	v3 =	vld [tilespmem:s15+$0x400]  }
0x2e: {  	v4 =	vld [tilespmem:s15+$0x0]  }
0x2f: {  	v5 =	vld [tilespmem:s15+$0x800]  }
0x30: {  	v6 =	vld [tilespmem:s15+$0xC00]  }
0x31: {  	v7 =	vld [tilespmem:s15+$0x1000]  }
0x32: {  	v8 =	vld [tilespmem:s15+$0x1400]  }
0x33: {  	v3 =	vmax.f32 v4, v3;
	v4 =	vld [tilespmem:s15+$0x1800]  }
0x34: {  	v3 =	vmax.f32 v3, v5;
	v5 =	vld [tilespmem:s15+$0x1C00]  }
0x35: {  	v3 =	vmax.f32 v3, v6;
	v6 =	vld [tilespmem:s15+$0x2000]  }
0x36: {  	v3 =	vmax.f32 v3, v7;
	v7 =	vld [tilespmem:s15+$0x2400]  }
0x37: {  	v3 =	vmax.f32 v3, v8;
	v8 =	vld [tilespmem:s15+$0x2800]  }
0x38: {  	v3 =	vmax.f32 v3, v4;
	v4 =	vld [tilespmem:s15+$0x2C00]  }
0x39: {  	v3 =	vmax.f32 v3, v5;
	v5 =	vld [tilespmem:s15+$0x3000]  }
0x3a: {  	v3 =	vmax.f32 v3, v6;
	v6 =	vld [tilespmem:s15+$0x3400]  }
0x3b: {  	v3 =	vmax.f32 v3, v7;
	v7 =	vld [tilespmem:s15+$0x3800]  }
0x3c: {  	v3 =	vmax.f32 v3, v8;
	v8 =	vld [tilespmem:s15+$0x3C00]  }
.Ltmp1:
0x3d: {  	v3 =	vmax.f32 v3, v4;
	(pc) =	sbr.rel @p0 .LBB2_3-.Ltmp1, $4  }
0x3e: {  	v3 =	vmax.f32 v3, v5  }
0x3f: {  	v3 =	vmax.f32 v3, v6  }
0x40: {  	s16 =	sand.u32 $0xE00, s13;
	s12 =	sadd.s32 $0x10, s12;
	s14 =	sshra.s32 s14, $0x2;
	v3 =	vmax.f32 v3, v7  }
0x41: {  	s13 =	sadd.s32 $0x40, s13;
	s16 =	sshrl.u32 s16, $0x2;
	s15 =	sand.u32 $0x70, s12;
	v3 =	vmax.f32 v3, v8  }
0x42: {  	s12 =	sor.u32 s15, s16;
	[tilespmem:s14+$0x4000] =	vst v3  }
0x43: {  	v3 =	vld [tilespmem:s12+$0x400]  }
0x44: {  	v4 =	vld [tilespmem:s12+$0x0]  }
0x45: {  	v5 =	vld [tilespmem:s12+$0x800]  }
0x46: {  	v6 =	vld [tilespmem:s12+$0xC00]  }
0x47: {  	v7 =	vld [tilespmem:s12+$0x1000]  }
0x48: {  	v8 =	vld [tilespmem:s12+$0x1400]  }
0x49: {  	v54 =	vld [tilespmem:s12+$0x1800];
	v3 =	vmax.f32 v4, v3  }
0x4a: {  	v55 =	vld [tilespmem:s12+$0x1C00];
	v3 =	vmax.f32 v3, v5  }
0x4b: {  	v56 =	vld [tilespmem:s12+$0x2000];
	v3 =	vmax.f32 v3, v6  }
0x4c: {  	v57 =	vld [tilespmem:s12+$0x2400];
	v3 =	vmax.f32 v3, v7  }
0x4d: {  	v58 =	vld [tilespmem:s12+$0x2800];
	v3 =	vmax.f32 v3, v8  }
0x4e: {  	v59 =	vld [tilespmem:s12+$0x2C00];
	v3 =	vmax.f32 v3, v54  }
0x4f: {  	v60 =	vld [tilespmem:s12+$0x3000];
	v3 =	vmax.f32 v3, v55  }
0x50: {  	v61 =	vld [tilespmem:s12+$0x3400];
	v3 =	vmax.f32 v3, v56  }
0x51: {  	v62 =	vld [tilespmem:s12+$0x3800];
	v3 =	vmax.f32 v3, v57  }
0x52: {  	v63 =	vld [tilespmem:s12+$0x3C00];
	v3 =	vmax.f32 v3, v58  }
0x53: {  	v3 =	vmax.f32 v3, v59  }
0x54: {  	v3 =	vmax.f32 v3, v60  }
0x55: {  	v3 =	vmax.f32 v3, v61  }
0x56: {  	v3 =	vmax.f32 v3, v62  }
0x57: {  	s1 =	sshra.s32 s1, $0x2;
	v3 =	vmax.f32 v3, v63  }
0x58: {  	s12 =	simm.s32 $0x7F800000;
	[tilespmem:s1+$0x4000] =	vst v3;
	s1 =	simm.s32 $0x0  }
.LBB2_5:
0x59: {  	s13 =	ssub.s32 s12, s0;
	p0 =	sne.s32 s12, s0;
	s14 =	simm.s32 $0x1  }
0x5a: {  	s15 =	sshra.s32 s13, $0x1F;
	s14 =	simm.s32 @!p0 $0x0  }
0x5b: {  	s28 =	sand.u32 $0x1, s13;
	s14 =	sor.u32 s14, s15  }
0x5c: {  	s16 =	sshrl.u32 s13, $0x1F;
	p1 =	seq.s32 s28, $0x1;
	p6 =	sne.s32 s14, $0x1  }
0x5d: {  	s13 =	sadd.s32 s16, s13;
	p0 =	por !p6, !p1  }
0x5e: {  	s13 =	sshra.s32 s13, $0x1;
	s14 =	simm.s32 $0x1;
	p0 =	por !p0, !p0  }
0x5f: {  	s13 =	sadd.s32 s0, s13;
	s14 =	simm.s32 @!p0 $0x0  }
0x60: {  	s13 =	ssub.s32 s13, s14  }
0x61: {  	s31 =	simm.s32 $0x0;
	v3 =	vmov s13  }
0x62: {  	v5 =	vld [tilespmem:s31+$0x4000];
	s14 =	simm.s32 $0x40;
	v4 =	vbroadcast v3, $0x0;
	v3 =	vimm.s32 $0x0  }
.LBB2_6:
0x63: {  	_ =	sdelay $0x1  }
0x64: {  	p0 =	sne.s32 s14, $0xFC0  }
.Ltmp2:
0x65: {  	_ = 	snop;
	(pc) =	sbr.rel @p0 .LBB2_6-.Ltmp2, $4  }
0x66: {  	vm0 =	vge.f32 v5, v4  }
0x67: {  	v6 =	vmpcnt.ones.xlane vm0  }
0x68: {  	s15 =	sshra.s32 s14, $0x2  }
0x69: {  	s14 =	sadd.s32 $0x40, s14;
	v5 =	vld [tilespmem:s15+$0x4000];
	v3 =	vadd.s32 v3, v6  }
0x6a: {  	_ =	sdelay $0x3  }
0x6b: {  	vm0 =	vge.f32 v5, v4  }
0x6c: {  	v4 =	vmpcnt.ones.xlane vm0;
	_ =	sdelay $0x1  }
0x6d: {  	v3 =	vadd.s32 v3, v4  }
0x6e: {  	v3 =	vxor.u32 $0x80000000, v3  }
0x6f: {  	(xrf0) =	vmax.scan.msk.u32 $0xffff, v3;
	_ =	sdelay $0x5  }
0x70: {  	v3, _, _ =	vpop (xrf0)  }
0x71: {  	(v2sf) =	vpush v3, $0xF;
	_ =	sdelay $0xe  }
0x72: {  	s14 =	spop (v2sf)  }
0x73: {  	s1 =	sadd.s32 $0x1, s1;
	p0 =	sgt.u32 s14, $0x80000063  }
0x74: {  	s0 =	smov.u32 @p0 s13;
	s13 =	smov.u32 @p0 s12;
	p0 =	sne.s32 s1, $0x1F  }
.Ltmp3:
0x75: {  	_ = 	snop;
	(pc) =	sbr.rel @p0 .LBB2_5-.Ltmp3, $2  }
0x76: {  	_ =	sdelay $0x2  }
0x77: {  	s12 =	smov.u32 s13  }
0x78: {  	s12 =	simm.s32 $0x0  }
0x79: {  	s1 =	sand.u32 $0xFE00, s12  }
0x7a: {  	s13 =	sand.u32 $0x70, s12;
	s1 =	sshrl.u32 s1, $0x2  }
0x7b: {  	s1 =	sor.u32 s13, s1  }
0x7c: {  	v4 =	vld [tilespmem:s1+$0x0];
	_ =	sdelay $0x1  }
0x7d: {  	v3 =	vmov s0  }
0x7e: {  	v3 =	vbroadcast v3, $0x0;
	_ =	sdelay $0x1  }
0x7f: {  	vm0 =	vge.f32 v4, v3  }
0x80: {  	v4 =	vmpcnt.ones.xlane vm0;
	_ =	sdelay $0x1  }
0x81: {  	v4 =	vxor.u32 $0x80000000, v4  }
0x82: {  	(xrf0) =	vmax.scan.msk.u32 $0xffff, v4;
	_ =	sdelay $0x5  }
0x83: {  	v4, _, _ =	vpop (xrf0)  }
0x84: {  	s22 =	simm.s32 $0x40;
	(v2sf) =	vpush v4, $0xF  }
0x85: {  	p0 =	por $0x1, $0x1;
	s0 =	simm.s32 $0x10;
	s23 =	sand.u32 $0xFE00, s22  }
0x86: {  	s28 =	sand.u32 $0x70, s0;
	s1 =	sshrl.u32 s23, $0x2;
	v4 =	vor.u32 s12, v0;
	s12 =	simm.s32 @!p0 $0x100  }
0x87: {  	s1 =	sor.u32 s28, s1;
	[tilespmem:s12+$0x4400] =	vst.msk vm0, v4  }
0x88: {  	v4 =	vld [tilespmem:s1+$0x0];
	_ =	sdelay $0x4  }
0x89: {  	vm0 =	vge.f32 v4, v3  }
0x8a: {  	v4 =	vmpcnt.ones.xlane vm0;
	_ =	sdelay $0x1  }
0x8b: {  	v4 =	vxor.u32 $0x80000000, v4  }
0x8c: {  	(xrf0) =	vmax.scan.msk.u32 $0xffff, v4;
	_ =	sdelay $0x1  }
0x8d: {  	s31 =	spop (v2sf)  }
0x8e: {  	s1 =	simm.s32 $0x80;
	s13 =	sadd.s32 s31, s12;
	s12 =	simm.s32 $0x10  }
.LBB2_9:
0x8f: {  	p0 =	sne.s32 s1, $0xFFC0  }
0x90: {  	s13 =	sadd.s32 $0x80000000, s13;
	s14 =	smov.u32 s1;
	s1 =	sadd.s32 $0x40, s1  }
0x91: {  	p1 =	slt.s32 s13, $0x100;
	v4, _, _ =	vpop (xrf0)  }
0x92: {  	s0 =	sadd.s32 $0x10, s0;
	s14 =	sand.u32 $0xFE00, s14;
	(v2sf) =	vpush v4, $0xF  }
0x93: {  	s15 =	sand.u32 $0x70, s0;
	s14 =	sshrl.u32 s14, $0x2;
	s13 =	simm.s32 @!p1 $0x100;
	v4 =	vor.u32 s12, v0  }
0x94: {  	s12 =	smov.u32 s0;
	s14 =	sor.u32 s15, s14;
	[tilespmem:s13+$0x4400] =	vst.msk vm0, v4  }
0x95: {  	v4 =	vld [tilespmem:s14+$0x0];
	_ =	sdelay $0x4  }
0x96: {  	vm0 =	vge.f32 v4, v3  }
0x97: {  	v4 =	vmpcnt.ones.xlane vm0;
	_ =	sdelay $0x1  }
0x98: {  	v4 =	vxor.u32 $0x80000000, v4  }
.Ltmp4:
0x99: {  	(xrf0) =	vmax.scan.msk.u32 $0xffff, v4;
	(pc) =	sbr.rel @p0 .LBB2_9-.Ltmp4, $3  }
0x9a: {  	_ =	sdelay $0x1  }
0x9b: {  	s14 =	spop (v2sf)  }
0x9c: {  	s13 =	sadd.s32 s14, s13  }
0x9d: {  	_ = 	snop  }
0x9e: {  	v4, _, _ =	vpop (xrf0)  }
0x9f: {  	(v2sf) =	vpush v4, $0xF;
	_ =	sdelay $0xc  }
0xa0: {  	s13 =	sadd.s32 $0x80000000, s13  }
0xa1: {  	p0 =	slt.s32 s13, $0x100  }
0xa2: {  	s13 =	simm.s32 @!p0 $0x100;
	s0 =	spop (v2sf)  }
0xa3: {  	s0 =	sadd.s32 s0, s13  }
0xa4: {  	s0 =	sadd.s32 $0x80000000, s0  }
0xa5: {  	p0 =	slt.s32 s0, $0x100  }
0xa6: {  	p1 =	slt.s32 s0, $0xFFFFFFE2;
	s0 =	simm.s32 @!p0 $0x100  }
0xa7: {  	s1 =	sadd.s32 $0x1F, s0  }
0xa8: {  	s14 =	sand.u32 $0x1F, s1  }
0xa9: {  	s15 =	sshra.s32 s1, $0x1F;
	p6 =	sne.s32 s14, $0x0  }
0xaa: {  	s28 =	sshrl.u32 s15, $0x1B;
	p0 =	por !p1, !p6  }
0xab: {  	s14 =	simm.s32 $0x1;
	s1 =	sadd.s32 s28, s1;
	p0 =	por !p0, !p0  }
0xac: {  	s1 =	sshra.s32 s1, $0x5;
	s14 =	simm.s32 @!p0 $0x0  }
0xad: {  	s1 =	ssub.s32 s1, s14  }
0xae: {  	p0 =	slt.s32 s1, $0x1  }
.Ltmp5:
0xaf: {  	_ = 	snop;
	(pc) =	sbr.rel @!p0 .LBB2_11-.Ltmp5, $3  }
0xb0: {  	_ =	sdelay $0x1  }
0xb1: {  	s31 =	simm.s32 $0x0;
	v4 =	vor.u32 s12, v0  }
0xb2: {  	s12 =	simm.s32 $0x0;
	[tilespmem:s13+$0x4400] =	vst.msk vm0, v4;
	s13 =	simm.s32 $0x0;
	s14 =	simm.s32 $0x0  }
.LBB2_20:
0xb3: {  	p0 =	slt.s32 s14, $0x100;
	s0 =	smov.u32 s14  }
0xb4: {  	s0 =	simm.s32 @!p0 $0x100;
	p0 =	sgt.s32 s14, $0x0  }
.Ltmp6:
0xb5: {  	_ = 	snop;
	(pc) =	sbr.rel @!p0 .LBB2_28-.Ltmp6, $4  }
0xb6: {  	_ = 	snop  }
0xb7: {  	[tilespmem:s0+$0xC580] =	vst v1  }
0xb8: {  	[tilespmem:s0+$0xC700] =	vst v2  }
0xb9: {  	[tilespmem:$0xC8E0] =	vst v2  }
0xba: {  	s1 =	sadd.s32 $0xF, s0  }
0xbb: {  	p0 =	slt.s32 s14, $0xFFFFFFF2;
	s12 =	sand.u32 $0xF, s1  }
.Ltmp7:
0xbc: {  	s13 =	sshra.s32 s1, $0x1F;
	p1 =	sne.s32 s12, $0x0;
	(pc) =	sbr.rel .LBB2_22-.Ltmp7, $4  }
0xbd: {  	s28 =	sshrl.u32 s13, $0x1C;
	p0 =	por !p0, !p1  }
0xbe: {  	s12 =	simm.s32 $0x1;
	s1 =	sadd.s32 s28, s1;
	p0 =	por !p0, !p0  }
0xbf: {  	s1 =	sshra.s32 s1, $0x4;
	s12 =	simm.s32 @!p0 $0x0  }
0xc0: {  	s1 =	ssub.s32 s1, s12  }
.LBB2_19:
0xc1: {  	s13 =	sadd.s32 $0x1, s13  }
0xc2: {  	p0 =	sne.s32 s13, s1  }
.Ltmp8:
0xc3: {  	_ = 	snop;
	(pc) =	sbr.rel @!p0 .LBB2_20-.Ltmp8, $2  }
0xc4: {  	_ =	sdelay $0x2  }
0xc5: {  	s12 =	sadd.s32 $0x20, s12  }
.LBB2_11:
0xc6: {  	s15 =	sadd.s32 $0x0, s12  }
0xc7: {  	p2 =	sge.s32 s15, s0  }
0xc8: {  	s16 =	sand.u32 @!p2 $0xF, s31  }
0xc9: {  	p0 =	seq.s32 @!p2 s15, $0x0;
	p1 =	sne.s32 @!p2 s16, $0x0  }
0xca: {  	p0 =	por @!p2 !p0, !p1  }
0xcb: {  	p0 =	por @!p2 !p0, !p0  }
0xcc: {  	s17 =	simm.s32 @!p2 $0x1;
	p0 =	por !p0, p2  }
0xcd: {  	s15 =	sshrl.u32 @!p2 s15, $0x4;
	s17 =	simm.s32 @p0 $0x0  }
0xce: {  	s15 =	ssub.s32 @!p2 s15, s17  }
0xcf: {  	s15 =	sshll.u32 @!p2 s15, $0x6  }
0xd0: {  	s15 =	sshra.s32 @!p2 s15, $0x2  }
0xd1: {  	v4 =	vld @!p2 [tilespmem:s15+$0x4400];
	_ =	sdelay $0x2  }
0xd2: {  	p0 =	por p2, p2  }
0xd3: {  	v5 =	vmov @!p0 s16;
	v6 =	vlaneseq.u32 @!p0  }
0xd4: {  	vm0 =	veq.s32 @!p0 v5, v6;
	v4 =	vxor.u32 @!p0 $0x80000000, v4  }
0xd5: {  	v4 =	vnsel @!p0 vm0, $0x1, v4  }
0xd6: {  	(xrf0) =	vmax.scan.msk.u32 @!p0 $0xffff, v4;
	_ =	sdelay $0x5  }
0xd7: {  	v4, _, _ =	vpop @!p2 (xrf0)  }
0xd8: {  	(v2sf) =	vpush @!p0 v4, $0xF;
	_ =	sdelay $0xe  }
0xd9: {  	s15 =	spop @!p2 (v2sf)  }
0xda: {  	s16 =	sxor.u32 @!p0 $0x80000000, s15  }
0xdb: {  	s17 =	sshra.s32 @!p0 s16, $0x1F  }
0xdc: {  	s17 =	sshrl.u32 @!p0 s17, $0x19  }
0xdd: {  	s18 =	simm.s32 $0x1;
	s19 =	sadd.s32 $0x1, s12;
	s17 =	sadd.s32 @!p0 s17, s16  }
0xde: {  	p3 =	sgt.s32 @!p0 s15, $0xFFFFFFFF;
	p4 =	slt.s32 @!p0 s16, $0x1;
	s20 =	sand.u32 @!p0 $0xFFFFFF80, s17  }
0xdf: {  	p1 =	sge.s32 s19, s0;
	p3 =	por @!p0 p3, p4;
	p4 =	sne.s32 @!p0 s16, s20  }
0xe0: {  	s15 =	sshll.u32 @!p0 s15, $0x7;
	s16 =	simm.s32 @!p2 $0x1;
	p2 =	por @!p0 !p3, !p4  }
0xe1: {  	s18 =	sand.u32 @!p1 $0xF, s18;
	s15 =	sadd.s32 @!p0 $0x4000, s15;
	p2 =	por @!p0 !p2, !p2  }
0xe2: {  	p3 =	seq.s32 @!p1 s19, $0x0;
	p4 =	sne.s32 @!p1 s18, $0x0;
	p2 =	por !p2, p0  }
0xe3: {  	s17 =	sshrl.u32 @!p0 s17, $0x7;
	p3 =	por @!p1 !p3, !p4;
	s16 =	simm.s32 @p2 $0x0  }
0xe4: {  	s15 =	sand.u32 @!p0 $0x3C00, s15;
	p2 =	por @!p1 !p3, !p3;
	s16 =	ssub.s32 @!p0 s17, s16  }
0xe5: {  	p2 =	por !p2, p1;
	s17 =	simm.s32 @!p1 $0x1;
	s16 =	sshll.u32 @!p0 s16, $0xE  }
0xe6: {  	s19 =	sshrl.u32 @!p1 s19, $0x4;
	s17 =	simm.s32 @p2 $0x0;
	s16 =	sadd.s32 @!p0 s5, s16  }
0xe7: {  	s17 =	ssub.s32 @!p1 s19, s17;
	s16 =	sor.u32 @!p0 s15, s16  }
0xe8: {  	s19 =	simm.s32 @!p0 $0x0;
	s17 =	sshll.u32 @!p1 s17, $0x6;
	s16 =	sshrl.u32 @!p0 s16, $0x3  }
0xe9: {  	s15 =	simm.s32 $0x4580;
	s17 =	sshra.s32 @!p1 s17, $0x2;
	s16 =	sadd.s32 @!p0 s3, s16  }
0xea: {  	[tilespmem:s15], [sflag:$0x1] =	stream.linear.gather @!p0 [hbm4b:s16+s19], $0x400, $0x38;
	[tilespmem:$0x10380] =	vst v63  }
0xeb: {  	v4 =	vld @!p1 [tilespmem:s17+$0x4400];
	_ =	sdelay $0x2  }
0xec: {  	p0 =	por p1, p1  }
0xed: {  	v5 =	vmov @!p0 s18;
	v6 =	vlaneseq.u32 @!p0  }
0xee: {  	vm0 =	veq.s32 @!p0 v5, v6;
	v4 =	vxor.u32 @!p0 $0x80000000, v4  }
0xef: {  	v4 =	vnsel @!p0 vm0, $0x1, v4  }
0xf0: {  	(xrf0) =	vmax.scan.msk.u32 @!p0 $0xffff, v4;
	_ =	sdelay $0x5  }
0xf1: {  	v4, _, _ =	vpop @!p1 (xrf0)  }
0xf2: {  	(v2sf) =	vpush @!p0 v4, $0xF;
	_ =	sdelay $0xe  }
0xf3: {  	s18 =	spop @!p1 (v2sf)  }
0xf4: {  	s19 =	sxor.u32 @!p0 $0x80000000, s18  }
0xf5: {  	s16 =	simm.s32 $0x2;
	s17 =	simm.s32 @!p1 $0x1;
	s20 =	sshra.s32 @!p0 s19, $0x1F  }
.LBB2_12:
0xf6: {  	s21 =	sadd.s32 s16, s12;
	s20 =	sshrl.u32 @!p0 s20, $0x19;
	s22 =	smov.u32 s16  }
0xf7: {  	p2 =	sgt.s32 @!p0 s18, $0xFFFFFFFF;
	p1 =	sge.s32 s21, s0;
	s20 =	sadd.s32 @!p0 s20, s19  }
0xf8: {  	p3 =	slt.s32 @!p0 s19, $0x1;
	s16 =	sadd.s32 $0x1, s16;
	s23 =	sand.u32 @!p0 $0xFFFFFF80, s20  }
0xf9: {  	p2 =	por @!p0 p2, p3;
	s28 =	sshrl.u32 @!p1 s21, $0x4;
	p3 =	sne.s32 @!p0 s19, s23  }
0xfa: {  	s18 =	sshll.u32 @!p0 s18, $0x7;
	s19 =	simm.s32 @!p1 $0x1;
	p3 =	por @!p0 !p2, !p3  }
0xfb: {  	s22 =	sand.u32 @!p1 $0xF, s22;
	p2 =	sne.s32 s16, $0x20;
	p3 =	por @!p0 !p3, !p3  }
0xfc: {  	p4 =	seq.s32 @!p1 s21, $0x0;
	p5 =	sne.s32 @!p1 s22, $0x0;
	p3 =	por !p3, p0  }
0xfd: {  	s20 =	sshrl.u32 @!p0 s20, $0x7;
	p4 =	por @!p1 !p4, !p5;
	s17 =	simm.s32 @p3 $0x0  }
0xfe: {  	s18 =	sadd.s32 @!p0 $0x4000, s18;
	p3 =	por @!p1 !p4, !p4;
	s17 =	ssub.s32 @!p0 s20, s17  }
0xff: {  	p3 =	por !p3, p1;
	s20 =	simm.s32 @!p1 $0x1;
	s17 =	sshll.u32 @!p0 s17, $0xE  }
0x100: {  	s18 =	sand.u32 @!p0 $0x3C00, s18;
	s20 =	simm.s32 @p3 $0x0;
	s17 =	sadd.s32 @!p0 s5, s17  }
0x101: {  	s20 =	ssub.s32 @!p1 s28, s20;
	s17 =	sor.u32 @!p0 s18, s17  }
0x102: {  	s15 =	sadd.s32 $0x400, s15;
	s18 =	sshll.u32 @!p1 s20, $0x6;
	s17 =	sshrl.u32 @!p0 s17, $0x3  }
0x103: {  	s20 =	simm.s32 @!p0 $0x0;
	s18 =	sshra.s32 @!p1 s18, $0x2;
	s17 =	sadd.s32 @!p0 s3, s17  }
0x104: {  	[tilespmem:s15], [sflag:$0x1] =	stream.linear.gather @!p0 [hbm4b:s17+s20], $0x400, $0x38;
	[tilespmem:$0x10380] =	vst v63  }
0x105: {  	s17 =	smov.u32 s19;
	p0 =	por p1, p1;
	v4 =	vld @!p1 [tilespmem:s18+$0x4400];
	_ =	sdelay $0x3  }
0x106: {  	v5 =	vmov @!p0 s22;
	v6 =	vlaneseq.u32 @!p0  }
0x107: {  	vm0 =	veq.s32 @!p0 v5, v6;
	v4 =	vxor.u32 @!p0 $0x80000000, v4  }
0x108: {  	v4 =	vnsel @!p0 vm0, $0x1, v4  }
0x109: {  	(xrf0) =	vmax.scan.msk.u32 @!p0 $0xffff, v4;
	_ =	sdelay $0x5  }
0x10a: {  	v4, _, _ =	vpop @!p1 (xrf0)  }
0x10b: {  	(v2sf) =	vpush @!p0 v4, $0xF;
	_ =	sdelay $0xc  }
.Ltmp9:
0x10c: {  	(pc) =	sbr.rel @p2 .LBB2_12-.Ltmp9, $4  }
0x10d: {  	_ = 	snop  }
0x10e: {  	s18 =	spop @!p1 (v2sf)  }
0x10f: {  	s19 =	sxor.u32 @!p0 $0x80000000, s18  }
0x110: {  	s20 =	sshra.s32 @!p0 s19, $0x1F  }
0x111: {  	s16 =	sshrl.u32 @!p0 s20, $0x19  }
0x112: {  	s16 =	sadd.s32 @!p0 s16, s19  }
0x113: {  	p1 =	sgt.s32 @!p0 s18, $0xFFFFFFFF;
	p2 =	slt.s32 @!p0 s19, $0x1;
	s20 =	sand.u32 @!p0 $0xFFFFFF80, s16  }
0x114: {  	p1 =	por @!p0 p1, p2;
	p2 =	sne.s32 @!p0 s19, s20  }
0x115: {  	p1 =	por @!p0 !p1, !p2  }
0x116: {  	p1 =	por @!p0 !p1, !p1  }
0x117: {  	p1 =	por !p1, p0  }
0x118: {  	s16 =	sshrl.u32 @!p0 s16, $0x7;
	s17 =	simm.s32 @p1 $0x0  }
0x119: {  	s18 =	sshll.u32 @!p0 s18, $0x7;
	s16 =	ssub.s32 @!p0 s16, s17  }
0x11a: {  	s17 =	sadd.s32 @!p0 $0x4000, s18;
	s16 =	sshll.u32 @!p0 s16, $0xE  }
0x11b: {  	s17 =	sand.u32 @!p0 $0x3C00, s17;
	s16 =	sadd.s32 @!p0 s5, s16  }
0x11c: {  	s16 =	sor.u32 @!p0 s17, s16  }
0x11d: {  	s15 =	sadd.s32 $0x400, s15;
	s16 =	sshrl.u32 @!p0 s16, $0x3  }
0x11e: {  	p1 =	por $0x1, $0x1;
	s17 =	simm.s32 @!p0 $0x0;
	s16 =	sadd.s32 @!p0 s3, s16  }
0x11f: {  	[tilespmem:s15], [sflag:$0x1] =	stream.linear.gather @!p0 [hbm4b:s16+s17], $0x400, $0x38;
	[tilespmem:$0x10380] =	vst v63  }
.Ltmp10:
0x120: {  	s28 =	sadd.s32 $0x0, s12;
	(pc) =	sbr.rel @!p1 .LBB2_15-.Ltmp10, $4  }
0x121: {  	p0 =	sge.s32 s28, s0  }
0x122: {  	s17 =	simm.s32 @!p0 $0x1  }
0x123: {  	_ =	swait.ge @!p0 [sflag:s17], $0x400  }
0x124: {  	s15 =	simm.s32 $0x0;
	s16 =	simm.s32 $0x1;
	[sflag:s17] =	ssyncset.done @!p0 $0x0  }
.LBB2_14:
0x125: {  	[sflag:s17] =	ssyncadd.s32 @!p0 $0xFFFFFC00;
	s17 =	smov.u32 s16;
	s16 =	sadd.s32 $0x1, s16  }
0x126: {  	p1 =	sne.s32 s16, $0x20  }
.Ltmp11:
0x127: {  	s17 =	sadd.s32 s17, s12;
	(pc) =	sbr.rel @p1 .LBB2_14-.Ltmp11, $4  }
0x128: {  	p0 =	sge.s32 s17, s0  }
0x129: {  	s17 =	simm.s32 @!p0 $0x1  }
0x12a: {  	_ =	swait.ge @!p0 [sflag:s17], $0x400  }
0x12b: {  	[sflag:s17] =	ssyncset.done @!p0 $0x0  }
.LBB2_15:
.Ltmp12:
0x12c: {  	(pc) =	sbr.rel .LBB2_16-.Ltmp12, $2  }
0x12d: {  	_ =	sdelay $0x2  }
0x12e: {  	[sflag:s17] =	ssyncadd.s32 @!p0 $0xFFFFFC00;
	s16 =	simm.s32 $0x0  }
.LBB2_18:
0x12f: {  	s15 =	sadd.s32 $0x1000, s15  }
0x130: {  	p0 =	sne.s32 s15, $0x20000  }
.Ltmp13:
0x131: {  	_ = 	snop;
	(pc) =	sbr.rel @!p0 .LBB2_19-.Ltmp13, $2  }
0x132: {  	_ =	sdelay $0x2  }
0x133: {  	s16 =	sadd.s32 $0x1, s16  }
.LBB2_16:
0x134: {  	s17 =	sadd.s32 s16, s12  }
0x135: {  	p0 =	sge.s32 s17, s0  }
.Ltmp14:
0x136: {  	_ = 	snop;
	(pc) =	sbr.rel @p0 .LBB2_18-.Ltmp14, $1  }
0x137: {  	_ =	sdelay $0x3  }
0x138: {  	s18 =	sand.u32 $0xF, s16  }
0x139: {  	p0 =	seq.s32 s17, $0x0;
	p1 =	sne.s32 s18, $0x0  }
0x13a: {  	p0 =	por !p0, !p1  }
0x13b: {  	s19 =	simm.s32 $0x1;
	p0 =	por !p0, !p0  }
0x13c: {  	s23 =	sshrl.u32 s17, $0x4;
	s19 =	simm.s32 @!p0 $0x0  }
0x13d: {  	s17 =	ssub.s32 s23, s19  }
0x13e: {  	s17 =	sshll.u32 s17, $0x6  }
0x13f: {  	s17 =	sshra.s32 s17, $0x2  }
0x140: {  	v4 =	vld [tilespmem:s17+$0x4400];
	_ =	sdelay $0x3  }
0x141: {  	v5 =	vmov s18  }
0x142: {  	vm0 =	veq.s32 v5, v0;
	v4 =	vxor.u32 $0x80000000, v4  }
0x143: {  	v4 =	vnsel vm0, $0x1, v4  }
0x144: {  	(xrf0) =	vmax.scan.msk.u32 $0xffff, v4;
	_ =	sdelay $0x5  }
0x145: {  	v4, _, _ =	vpop (xrf0)  }
0x146: {  	(v2sf) =	vpush v4, $0xF;
	_ =	sdelay $0xe  }
0x147: {  	s28 =	spop (v2sf)  }
0x148: {  	s19 =	sand.u32 $0x7, s28  }
0x149: {  	s18 =	sshll.u32 s19, $0x9  }
0x14a: {  	s20 =	sadd.s32 s18, s15  }
0x14b: {  	s19 =	sshra.s32 s20, $0x2  }
0x14c: {  	v4 =	vld [tilespmem:s19+$0x4580];
	_ =	sdelay $0x4  }
0x14d: {  	vm11 =	vge.f32 v4, v3  }
0x14e: {  	v5 =	vmpcnt.ones.xlane vm11;
	_ =	sdelay $0x1  }
0x14f: {  	v5 =	vxor.u32 $0x80000000, v5  }
0x150: {  	(xrf0) =	vmax.scan.msk.u32 $0xffff, v5;
	_ =	sdelay $0x5  }
0x151: {  	v5, _, _ =	vpop (xrf0)  }
0x152: {  	(v2sf) =	vpush v5, $0xF;
	_ =	sdelay $0x9  }
0x153: {  	p0 =	slt.s32 s14, $0x100;
	s17 =	smul.u32 $0x50, s28  }
0x154: {  	s14 =	simm.s32 @!p0 $0x100  }
0x155: {  	s18 =	sshrl.u32 s18, $0x2;
	s20 =	sshra.s32 s15, $0x2;
	[tilespmem:s14+$0xC580] =	vst.msk vm11, v4;
	v4 =	vor.u32 s17, v0  }
0x156: {  	s18 =	sadd.s32 s20, s18;
	[tilespmem:s14+$0xC700] =	vst.msk vm11, v4  }
0x157: {  	v4 =	vld [tilespmem:s18+$0x4590]  }
0x158: {  	s21 =	spop (v2sf)  }
0x159: {  	s14 =	sadd.s32 s21, s14  }
0x15a: {  	s14 =	sadd.s32 $0x80000000, s14  }
0x15b: {  	p0 =	slt.s32 s14, $0x100  }
0x15c: {  	s22 =	sadd.s32 $0x10, s17;
	vm12 =	vge.f32 v4, v3;
	s14 =	simm.s32 @!p0 $0x100  }
0x15d: {  	v5 =	vmpcnt.ones.xlane vm12;
	[tilespmem:s14+$0xC580] =	vst.msk vm12, v4;
	v4 =	vor.u32 s22, v0  }
0x15e: {  	[tilespmem:s14+$0xC700] =	vst.msk vm12, v4  }
0x15f: {  	v4 =	vxor.u32 $0x80000000, v5;
	v5 =	vld [tilespmem:s18+$0x45A0]  }
0x160: {  	(xrf0) =	vmax.scan.msk.u32 $0xffff, v4;
	_ =	sdelay $0x3  }
0x161: {  	vm13 =	vge.f32 v5, v3  }
0x162: {  	v4 =	vmpcnt.ones.xlane vm13  }
0x163: {  	v6, _, _ =	vpop (xrf0)  }
0x164: {  	(v2sf) =	vpush v6, $0xF;
	v4 =	vxor.u32 $0x80000000, v4  }
0x165: {  	(xrf0) =	vmax.scan.msk.u32 $0xffff, v4;
	_ =	sdelay $0x5  }
0x166: {  	v4, _, _ =	vpop (xrf0)  }
0x167: {  	(v2sf) =	vpush v4, $0xF;
	_ =	sdelay $0x6  }
0x168: {  	s23 =	spop (v2sf)  }
0x169: {  	s14 =	sadd.s32 s23, s14  }
0x16a: {  	s14 =	sadd.s32 $0x80000000, s14  }
0x16b: {  	p0 =	slt.s32 s14, $0x100  }
0x16c: {  	s28 =	sadd.s32 $0x20, s17;
	s14 =	simm.s32 @!p0 $0x100  }
0x16d: {  	v4 =	vor.u32 s28, v0;
	[tilespmem:s14+$0xC580] =	vst.msk vm13, v5  }
0x16e: {  	[tilespmem:s14+$0xC700] =	vst.msk vm13, v4  }
0x16f: {  	v4 =	vld [tilespmem:s18+$0x45B0]  }
0x170: {  	s20 =	spop (v2sf)  }
0x171: {  	s14 =	sadd.s32 s20, s14  }
0x172: {  	s14 =	sadd.s32 $0x80000000, s14  }
0x173: {  	p0 =	slt.s32 s14, $0x100  }
0x174: {  	s21 =	sadd.s32 $0x30, s17;
	vm14 =	vge.f32 v4, v3;
	s14 =	simm.s32 @!p0 $0x100  }
0x175: {  	[tilespmem:s14+$0xC580] =	vst.msk vm14, v4;
	v4 =	vor.u32 s21, v0  }
0x176: {  	[tilespmem:s14+$0xC700] =	vst.msk vm14, v4  }
0x177: {  	v4 =	vld [tilespmem:s19+$0x45C0];
	_ =	sdelay $0x1  }
0x178: {  	v5 =	vmpcnt.ones.xlane vm14;
	_ =	sdelay $0x1  }
0x179: {  	v5 =	vxor.u32 $0x80000000, v5  }
0x17a: {  	(xrf0) =	vmax.scan.msk.u32 $0xffff, v5;
	vm15 =	vge.f32 v4, v3  }
0x17b: {  	v5 =	vmpcnt.ones.xlane vm15;
	_ =	sdelay $0x1  }
0x17c: {  	v5 =	vxor.u32 $0x80000000, v5  }
0x17d: {  	(xrf0) =	vmax.scan.msk.u32 $0xffff, v5;
	_ =	sdelay $0x1  }
0x17e: {  	v5, _, _ =	vpop (xrf0)  }
0x17f: {  	(v2sf) =	vpush v5, $0xF;
	_ =	sdelay $0x2  }
0x180: {  	v5, _, _ =	vpop (xrf0)  }
0x181: {  	(v2sf) =	vpush v5, $0xF;
	_ =	sdelay $0xa  }
0x182: {  	s22 =	spop (v2sf)  }
0x183: {  	s14 =	sadd.s32 s22, s14  }
.Ltmp15:
0x184: {  	s14 =	sadd.s32 $0x80000000, s14;
	(pc) =	sbr.rel .LBB2_18-.Ltmp15, $4  }
0x185: {  	p0 =	slt.s32 s14, $0x100  }
0x186: {  	s17 =	sadd.s32 $0x40, s17;
	s14 =	simm.s32 @!p0 $0x100;
	s23 =	spop (v2sf)  }
0x187: {  	[tilespmem:s14+$0xC580] =	vst.msk vm15, v4;
	v4 =	vor.u32 s17, v0;
	s28 =	sadd.s32 s23, s14  }
0x188: {  	[tilespmem:s14+$0xC700] =	vst.msk vm15, v4;
	s14 =	sadd.s32 $0x80000000, s28  }
.LBB2_23:
0x189: {  	v4 =	vimm.s32 $0x80000000  }
.LBB2_27:
0x18a: {  	(xrf0) =	vmax.scan.msk.u32 $0xffff, v4;
	_ =	sdelay $0x5  }
0x18b: {  	v4, _, _ =	vpop (xrf0)  }
0x18c: {  	(v2sf) =	vpush v4, $0xF;
	_ =	sdelay $0xe  }
0x18d: {  	s14 =	spop (v2sf)  }
0x18e: {  	s15 =	sxor.u32 $0x80000000, s14  }
0x18f: {  	p0 =	sgt.s32 s15, $0x63  }
0x190: {  	s16 =	smulhi.u32 @!p0 $0x66666667, s13;
	s17 =	sshra.s32 @!p0 s13, $0x1F  }
0x191: {  	s17 =	smul.u32 @!p0 $0x66666667, s17;
	_ =	sdelay $0x1  }
0x192: {  	s16 =	sadd.s32 @!p0 s17, s16  }
0x193: {  	s17 =	sshrl.u32 @!p0 s16, $0x1F;
	s16 =	sshra.s32 @!p0 s16, $0x5  }
0x194: {  	s16 =	sadd.s32 @!p0 s17, s16  }
0x195: {  	s17 =	smul.u32 @!p0 $0xFFFFFFB0, s16;
	_ =	sdelay $0x1  }
0x196: {  	p1 =	slt.s32 @!p0 s13, $0x1;
	p2 =	sgt.s32 @!p0 s12, $0xFFFFFFFF;
	s17 =	sadd.s32 @!p0 s13, s17  }
0x197: {  	p1 =	por @!p0 p2, p1;
	p3 =	sne.s32 @!p0 s17, $0x0  }
0x198: {  	p1 =	por @!p0 !p1, !p3  }
0x199: {  	p1 =	por @!p0 !p1, !p1  }
0x19a: {  	s12 =	simm.s32 @!p0 $0x1;
	p1 =	por !p1, p0  }
0x19b: {  	s12 =	simm.s32 @p1 $0x0  }
0x19c: {  	s12 =	ssub.s32 @!p0 s16, s12  }
0x19d: {  	s13 =	smul.u32 @!p0 $0x6, s15;
	s16 =	sand.u32 @!p0 $0x1F, s12  }
0x19e: {  	p1 =	slt.s32 @!p0 s12, $0x1;
	p2 =	sne.s32 @!p0 s16, $0x0  }
0x19f: {  	s18 =	sshra.s32 @!p0 s12, $0x1F;
	s16 =	sadd.s32 @!p0 $0x4, s13;
	p1 =	por @!p0 !p1, !p2  }
0x1a0: {  	s13 =	sadd.s32 @!p0 $0x5, s13;
	v4 =	vmov @!p0 s16;
	s16 =	sshrl.u32 @!p0 s18, $0x1B;
	p1 =	por @!p0 !p1, !p1  }
0x1a1: {  	s18 =	simm.s32 @!p0 $0x1;
	v4 =	vbroadcast @!p0 v4, $0x0;
	s16 =	sadd.s32 @!p0 s16, s12;
	p1 =	por !p1, p0  }
0x1a2: {  	p2 =	slt.s32 @!p0 s17, $0x0;
	s16 =	sshrl.u32 @!p0 s16, $0x5;
	s18 =	simm.s32 @p1 $0x0  }
0x1a3: {  	v5 =	vmov @!p0 s13;
	s13 =	sadd.s32 @!p0 $0x50, s17;
	p1 =	por !p2, p0;
	s16 =	ssub.s32 @!p0 s16, s18  }
0x1a4: {  	v6 =	vmov @!p0 s15;
	s13 =	smov.u32 @p1 s17;
	s15 =	sshll.u32 @!p0 s16, $0x7  }
0x1a5: {  	v3 =	vbroadcast @!p0 v3, $0xF;
	s13 =	scvt.s32.f32 @!p0 s13;
	s16 =	sand.u32 @!p0 $0xFFFFFC00, s15  }
0x1a6: {  	s17 =	simm.s32 @!p0 $0x10100;
	s15 =	sand.u32 @!p0 $0x380, s15;
	s16 =	sadd.s32 @!p0 s6, s16  }
0x1a7: {  	s31 =	sadd.s32 $0x1, s31;
	s14 =	sshll.u32 @!p0 s14, $0x9;
	[tilespmem:v4+s17+$0x0] =	vst.idx.msk @!p0 $0x1, v3;
	v3 =	vmov @!p0 s13;
	s13 =	sor.u32 @!p0 s15, s16  }
0x1a8: {  	s14 =	sshra.s32 @!p0 s14, $0x2;
	[tilespmem:v5+s17+$0x0] =	vst.idx.msk @!p0 $0x1, v3;
	v3 =	vmov @!p0 s12;
	s12 =	simm.s32 @!p0 $0xC880;
	s13 =	sshrl.u32 @!p0 s13, $0x3  }
0x1a9: {  	[tilespmem:v6+s12+$0x0] =	vst.idx.msk @!p0 $0x1, v3;
	s12 =	sadd.s32 @!p0 $0xC900, s14;
	s14 =	simm.s32 @!p0 $0x0;
	s13 =	sadd.s32 @!p0 s4, s13  }
0x1aa: {  	[tilespmem:s12], [sflag:$0x2] =	stream.linear.gather @!p0 [hbm4b:s13+s14], $0x80, $0x38;
	[tilespmem:$0x10380] =	vst v63  }
0x1ab: {  	p0 =	seq.s32 s31, s0  }
.Ltmp16:
0x1ac: {  	_ = 	snop;
	(pc) =	sbr.rel @p0 .LBB2_28-.Ltmp16, $1  }
0x1ad: {  	_ =	sdelay $0x3  }
.LBB2_22:
0x1ae: {  	s12 =	sand.u32 $0x7FFFFFF0, s31  }
0x1af: {  	v3 =	vld [tilespmem:s12+$0xC580]  }
0x1b0: {  	v4 =	vld [tilespmem:s12+$0xC700];
	_ =	sdelay $0x1  }
0x1b1: {  	s28 =	sand.u32 $0xF, s31  }
0x1b2: {  	v5 =	vmov s28  }
0x1b3: {  	vm0 =	veq.s32 v5, v0  }
0x1b4: {  	v3 =	vnsel vm0, $0xC0400000, v3;
	v4 =	vxor.u32 $0x80000000, v4  }
0x1b5: {  	(xrf0) =	vmax.scan.msk.f32 $0xffff, v3;
	v3 =	vnsel vm0, $0x1, v4  }
0x1b6: {  	(xrf0) =	vmax.scan.msk.u32 $0xffff, v3;
	_ =	sdelay $0x4  }
0x1b7: {  	v3, _, _ =	vpop (xrf0)  }
0x1b8: {  	v4, _, _ =	vpop (xrf0)  }
0x1b9: {  	(v2sf) =	vpush v4, $0xF;
	_ =	sdelay $0xa  }
0x1ba: {  	p0 =	slt.s32 s1, $0x1  }
.Ltmp17:
0x1bb: {  	_ = 	snop;
	(pc) =	sbr.rel @p0 .LBB2_23-.Ltmp17, $3  }
0x1bc: {  	_ =	sdelay $0x1  }
0x1bd: {  	s12 =	spop (v2sf)  }
0x1be: {  	s13 =	sxor.u32 $0x80000000, s12  }
0x1bf: {  	s15 =	simm.s32 $0xC580  }
0x1c0: {  	s14 =	simm.s32 $0xC700;
	p0 =	sne.s32 s1, $0x1;
	v8 =	vld [tilespmem:s15+$0x0]  }
.Ltmp18:
0x1c1: {  	v7 =	vld [tilespmem:s14+$0x0];
	(pc) =	sbr.rel @!p0 .LBB2_26-.Ltmp18, $3  }
0x1c2: {  	_ =	sdelay $0x1  }
0x1c3: {  	v5 =	vbroadcast v3, $0xF  }
0x1c4: {  	v6 =	vmov s13;
	v4 =	vimm.s32 $0x0;
	s16 =	simm.s32 $0xC590;
	s15 =	sadd.s32 $0xFFFFFFFF, s1  }
.LBB2_25:
0x1c5: {  	v9 =	vld [tilespmem:s16+$0x0];
	vm0 =	veq.f32 v8, v5;
	vm1 =	vlt.s32 v7, v6;
	s14 =	sadd.s32 $0x10, s14;
	p0 =	sne.s32 s15, $0x1  }
.Ltmp19:
0x1c6: {  	s15 =	sadd.s32 $0xFFFFFFFF, s15;
	vm2 =	vgt.f32 v8, v5;
	v7 =	vld [tilespmem:s14+$0x0];
	vm0 =	vmand vm0, vm1;
	(pc) =	sbr.rel @p0 .LBB2_25-.Ltmp19, $3  }
0x1c7: {  	vm0 =	vmor vm2, vm0  }
0x1c8: {  	v10 =	vmpcnt.ones.xlane vm0;
	_ =	sdelay $0x1  }
0x1c9: {  	s16 =	sadd.s32 $0x10, s16;
	v4 =	vadd.s32 v4, v10;
	v8 =	vmov v9  }
.LBB2_26:
0x1ca: {  	vm0 =	veq.f32 v8, v5;
	vm1 =	vlt.s32 v7, v6  }
0x1cb: {  	vm2 =	vgt.f32 v8, v5;
	vm0 =	vmand vm0, vm1  }
.Ltmp20:
0x1cc: {  	vm0 =	vmor vm2, vm0;
	(pc) =	sbr.rel .LBB2_27-.Ltmp20, $3  }
0x1cd: {  	v5 =	vmpcnt.ones.xlane vm0;
	_ =	sdelay $0x1  }
0x1ce: {  	v4 =	vadd.s32 v4, v5  }
0x1cf: {  	v4 =	vxor.u32 $0x80000000, v4  }
.LBB2_28:
0x1d0: {  	s0 =	simm.s32 $0xFB00  }
0x1d1: {  	[tilespmem:s0], [sflag:$0x2] =	stream.linear.gather [hbm4b:s7+s2], $0x80, $0x38;
	[tilespmem:$0x10380] =	vst v63  }
0x1d2: {  	s15 =	simm.s32 $0xFB80  }
0x1d3: {  	[tilespmem:s15], [sflag:$0x2] =	stream.linear.gather [hbm4b:s7+s2], $0x80, $0x38;
	[tilespmem:$0x10380] =	vst v63  }
0x1d4: {  	s16 =	simm.s32 $0xFC00  }
0x1d5: {  	[tilespmem:s16], [sflag:$0x2] =	stream.linear.gather [hbm4b:s7+s2], $0x80, $0x38;
	[tilespmem:$0x10380] =	vst v63  }
0x1d6: {  	s17 =	simm.s32 $0xFC80  }
0x1d7: {  	[tilespmem:s17], [sflag:$0x2] =	stream.linear.gather [hbm4b:s7+s2], $0x80, $0x38;
	[tilespmem:$0x10380] =	vst v63  }
0x1d8: {  	s18 =	simm.s32 $0xFD00  }
0x1d9: {  	[tilespmem:s18], [sflag:$0x2] =	stream.linear.gather [hbm4b:s7+s2], $0x80, $0x38;
	[tilespmem:$0x10380] =	vst v63  }
0x1da: {  	s19 =	simm.s32 $0xFD80  }
0x1db: {  	[tilespmem:s19], [sflag:$0x2] =	stream.linear.gather [hbm4b:s7+s2], $0x80, $0x38;
	[tilespmem:$0x10380] =	vst v63  }
0x1dc: {  	s20 =	simm.s32 $0xFE00  }
0x1dd: {  	[tilespmem:s20], [sflag:$0x2] =	stream.linear.gather [hbm4b:s7+s2], $0x80, $0x38;
	[tilespmem:$0x10380] =	vst v63  }
0x1de: {  	s21 =	simm.s32 $0xFE80  }
0x1df: {  	[tilespmem:s21], [sflag:$0x2] =	stream.linear.gather [hbm4b:s7+s2], $0x80, $0x38;
	[tilespmem:$0x10380] =	vst v63  }
0x1e0: {  	s22 =	simm.s32 $0xFF00  }
0x1e1: {  	[tilespmem:s22], [sflag:$0x2] =	stream.linear.gather [hbm4b:s7+s2], $0x80, $0x38;
	[tilespmem:$0x10380] =	vst v63  }
0x1e2: {  	s23 =	simm.s32 $0xFF80  }
0x1e3: {  	[tilespmem:s23], [sflag:$0x2] =	stream.linear.gather [hbm4b:s7+s2], $0x80, $0x38;
	[tilespmem:$0x10380] =	vst v63  }
0x1e4: {  	s28 =	simm.s32 $0x10000  }
0x1e5: {  	[tilespmem:s28], [sflag:$0x2] =	stream.linear.gather [hbm4b:s7+s2], $0x80, $0x38;
	[tilespmem:$0x10380] =	vst v63  }
0x1e6: {  	s31 =	simm.s32 $0x10080;
	s0 =	simm.s32 $0x70  }
0x1e7: {  	[tilespmem:s31], [sflag:$0x2] =	stream.linear.gather [hbm4b:s7+s2], $0x80, $0x38;
	[tilespmem:$0x10380] =	vst v63  }
.LBB2_29:
0x1e8: {  	p0 =	sne.s32 s0, $0x1  }
.Ltmp21:
0x1e9: {  	_ = 	snop;
	(pc) =	sbr.rel @p0 .LBB2_29-.Ltmp21, $4  }
0x1ea: {  	_ = 	snop  }
0x1eb: {  	_ =	swait.ge [sflag:s24], $0x80  }
0x1ec: {  	[sflag:s24] =	ssyncset.done $0x0  }
0x1ed: {  	s0 =	sadd.s32 $0xFFFFFFFF, s0;
	[sflag:s24] =	ssyncadd.s32 $0xFFFFFF80  }
0x1ee: {  	s0 =	simm.s32 $0xC880  }
0x1ef: {  	s1 =	simm.s32 $0x0;
	s12 =	simm.s32 $0x10;
	v3 =	vld [tilespmem:s0+$0x0]  }
.LBB2_31:
0x1f0: {  	p0 =	sne.s32 s12, $0x60;
	_ =	sdelay $0x3  }
0x1f1: {  	v4 =	vor.u32 s1, v0;
	s1 =	smov.u32 s12;
	v3 =	vshll.u32 v3, $0x2  }
0x1f2: {  	vm0 =	vlt.u32 v4, $0x64;
	v5 =	vshll.u32 v4, $0x7;
	v3 =	vand.u32 $0x7C, v3  }
0x1f3: {  	v3 =	vor.u32 v5, v3;
	_ =	sdelay $0x4  }
0x1f4: {  	v5 =	vld.idx.msk [tilespmem:v3+s25+$0x0], vm0;
	_ =	sdelay $0x1  }
0x1f5: {  	v4 =	vmul.u32 $0x6, v4;
	_ =	sdelay $0x1  }
0x1f6: {  	v6 =	vor.u32 $0x1, v3;
	_ =	sdelay $0x1  }
0x1f7: {  	v5 =	vmul.f32 $4.000000000e+00, v5;
	_ =	sdelay $0x1  }
0x1f8: {  	[tilespmem:v4+s26+$0x0] =	vst.idx.msk vm0, v5  }
0x1f9: {  	v5 =	vld.idx.msk [tilespmem:v6+s25+$0x0], vm0;
	_ =	sdelay $0x2  }
0x1fa: {  	v6 =	vor.u32 $0x1, v4  }
0x1fb: {  	v7 =	vor.u32 $0x2, v3;
	_ =	sdelay $0x1  }
0x1fc: {  	v5 =	vmul.f32 $4.000000000e+00, v5;
	_ =	sdelay $0x1  }
0x1fd: {  	[tilespmem:v6+s26+$0x0] =	vst.idx.msk vm0, v5  }
0x1fe: {  	v5 =	vld.idx.msk [tilespmem:v7+s25+$0x0], vm0;
	_ =	sdelay $0x2  }
0x1ff: {  	v6 =	vadd.s32 $0x2, v4  }
0x200: {  	v3 =	vor.u32 $0x3, v3;
	_ =	sdelay $0x1  }
0x201: {  	v5 =	vmul.f32 $4.000000000e+00, v5;
	_ =	sdelay $0x1  }
0x202: {  	[tilespmem:v6+s26+$0x0] =	vst.idx.msk vm0, v5  }
0x203: {  	v3 =	vld.idx.msk [tilespmem:v3+s25+$0x0], vm0;
	_ =	sdelay $0x2  }
0x204: {  	v4 =	vadd.s32 $0x3, v4;
	_ =	sdelay $0x1  }
.Ltmp22:
0x205: {  	(pc) =	sbr.rel @p0 .LBB2_31-.Ltmp22, $3  }
0x206: {  	v3 =	vmul.f32 $4.000000000e+00, v3;
	_ =	sdelay $0x1  }
0x207: {  	s0 =	sadd.s32 $0x10, s0;
	[tilespmem:v4+s26+$0x0] =	vst.idx.msk vm0, v3  }
0x208: {  	s12 =	sadd.s32 $0x10, s12;
	v3 =	vld [tilespmem:s0+$0x0]  }
0x209: {  	_ =	sdelay $0x3  }
0x20a: {  	v4 =	vor.u32 s1, v0;
	v3 =	vshll.u32 v3, $0x2  }
0x20b: {  	vm0 =	vlt.u32 v4, $0x64;
	v5 =	vshll.u32 v4, $0x7;
	v3 =	vand.u32 $0x7C, v3  }
0x20c: {  	v3 =	vor.u32 v5, v3;
	_ =	sdelay $0x4  }
0x20d: {  	v5 =	vld.idx.msk [tilespmem:v3+s25+$0x0], vm0  }
0x20e: {  	v4 =	vmul.u32 $0x6, v4;
	_ =	sdelay $0x1  }
0x20f: {  	v6 =	vor.u32 $0x1, v3;
	_ =	sdelay $0x1  }
0x210: {  	v5 =	vmul.f32 $4.000000000e+00, v5;
	_ =	sdelay $0x1  }
0x211: {  	[tilespmem:v4+s26+$0x0] =	vst.idx.msk vm0, v5  }
0x212: {  	v5 =	vld.idx.msk [tilespmem:v6+s25+$0x0], vm0;
	_ =	sdelay $0x1  }
0x213: {  	v62 =	vor.u32 $0x1, v4  }
0x214: {  	v7 =	vor.u32 $0x2, v3;
	_ =	sdelay $0x1  }
0x215: {  	v5 =	vmul.f32 $4.000000000e+00, v5;
	_ =	sdelay $0x1  }
0x216: {  	[tilespmem:v62+s26+$0x0] =	vst.idx.msk vm0, v5  }
0x217: {  	v5 =	vld.idx.msk [tilespmem:v7+s25+$0x0], vm0;
	_ =	sdelay $0x1  }
0x218: {  	v63 =	vadd.s32 $0x2, v4  }
0x219: {  	v3 =	vor.u32 $0x3, v3;
	_ =	sdelay $0x1  }
0x21a: {  	v5 =	vmul.f32 $4.000000000e+00, v5;
	_ =	sdelay $0x1  }
0x21b: {  	[tilespmem:v63+s26+$0x0] =	vst.idx.msk vm0, v5  }
0x21c: {  	v3 =	vld.idx.msk [tilespmem:v3+s25+$0x0], vm0;
	_ =	sdelay $0x1  }
0x21d: {  	v4 =	vadd.s32 $0x3, v4;
	_ =	sdelay $0x2  }
0x21e: {  	s30 =	sadd.s32 $0x1, s30;
	v3 =	vmul.f32 $4.000000000e+00, v3  }
0x21f: {  	p0 =	sne.s32 s30, s10  }
.Ltmp23:
0x220: {  	s0 =	simm.s32 $0x80;
	[tilespmem:v4+s26+$0x0] =	vst.idx.msk vm0, v3;
	(pc) =	sbr.rel @p0 .LBB2_2-.Ltmp23, $4  }
0x221: {  	[hbm4b:s8+s0] =	stream.strided.scatter [tilespmem:s26], [sflag:$0x3], $0x280, s29, s0, $0x38;
	[tilespmem:$0x10380] =	vst v63  }
0x222: {  	_ =	swait.ge [sflag:s11], $0x280  }
0x223: {  	[sflag:s11] =	ssyncset.done $0x0  }
0x224: {  	[sflag:s11] =	ssyncadd.s32 $0xFFFFFD80  }
.LBB2_33:
0x225: {  	_ =	sfence.sel $0x180000  }
0x226: {  	[bflag:$0x0] =	sbarrier.arrive $0xFFFF  }
0x227: {  	_ =	strace $0x90000047  }
0x228: {  	s0 =	stileid.u32;
	[bflag:$0x2] =	sbarrier.arrive $0xFFFF  }
0x229: {  	p0 =	sne.s32 s0, $0x0;
	s0 =	rddreg [dreg:$0x2]  }
0x22a: {  	s0 =	sadd.s32 @!p0 $0x100000, s0  }
0x22b: {  	[sflag:s0] =	ssyncadd.tile.s32 @!p0 $0x1;
	_ =	shalt  }
.Lfunc_end2:
_tile_overlayer_lowered:
.L_overlay_start_2:
0x22c: {  	(tag) =	ssettag $0x2  }
0x22d: {  	s0 =	rddreg [dreg:$0x0];
	s2 =	stileid.u32  }
0x22e: {  	s1 =	rddreg [dreg:$0x1];
	p0 =	sne.s32 s2, $0x0  }
0x22f: {  	s3 =	rddreg [dreg:$0x2];
	[bflag:$0x3] =	sbarrier.arrive $0xFFFF;
	s2 =	simm.s32 @!p0 $0x1C03  }
0x230: {  	[timem:s3], [sflag:s2] =	dma.local @!p0 [hbm:s0], s1  }
0x231: {  	s0 =	simm.s32 @!p0 $0x3  }
0x232: {  	_ =	swait.ge @!p0 [sflag:s0], s1  }
0x233: {  	s1 =	ssub.s32 @!p0 $0x0, s1;
	[sflag:s0] =	ssyncset.done @!p0 $0x0  }
0x234: {  	[sflag:s0] =	ssyncadd.s32 @!p0 s1  }
0x235: {  	[bflag:$0x3] =	sbarrier.arrive $0xFFFF  }
0x236: {  	_ =	shalt  }

</sc_bundles>
